<compile_context>
chip_gen: v7x
topology: tpu7x:2x2x1
jax: 0.10.2.dev20260603
libtpu: 0.0.44.dev20260713+nightly
codegen_flags: <defaults>
</compile_context>

<pallas_src>
import functools

import jax
import jax.numpy as jnp
from jax import lax
from jax.experimental import pallas as pl
from jax.experimental.pallas import tpu as pltpu
from jax.experimental.pallas import tpu_sc as plsc

N = 10000
E = 320000
D = 128
DE = 16
G = 16
NC = 2
NS = 16
CHUNK = 80
E_PER_TILE = E // (NC * NS)
CHUNKS_PER_TILE = E_PER_TILE // CHUNK
AGG_N = 10240
ROWS_PER_TILE = AGG_N // NS
STAGE = 128
NBLK = 10
BLK = N // NBLK


def _precompute_body(x_ref, batch_ref, u_ref, w1_ref, b1_ref, a_ref, b_ref):
    xb = x_ref[...]
    wu1 = jnp.dot(u_ref[...], w1_ref[2 * D + DE:, :],
                  preferred_element_type=jnp.float32)
    bb = batch_ref[0, 0, :]
    onehot = (bb[:, None] == lax.broadcasted_iota(jnp.int32, (BLK, G), 1)
              ).astype(jnp.float32)
    a_ref[...] = (jnp.dot(xb, w1_ref[0:D, :], preferred_element_type=jnp.float32)
                  + jnp.dot(onehot, wu1, preferred_element_type=jnp.float32)
                  + b1_ref[...])
    b_ref[...] = jnp.dot(xb, w1_ref[D:2 * D, :],
                         preferred_element_type=jnp.float32)


_precompute = pl.pallas_call(
    _precompute_body,
    grid=(NBLK,),
    in_specs=[
        pl.BlockSpec((BLK, D), lambda i: (i, 0)),
        pl.BlockSpec((1, 1, BLK), lambda i: (i, 0, 0)),
        pl.BlockSpec((G, D), lambda i: (0, 0)),
        pl.BlockSpec((2 * D + DE + D, D), lambda i: (0, 0)),
        pl.BlockSpec((1, D), lambda i: (0, 0)),
    ],
    out_specs=[pl.BlockSpec((BLK, D), lambda i: (i, 0))] * 2,
    out_shape=[jax.ShapeDtypeStruct((N, D), jnp.float32)] * 2,
)


def _edge_c_body(ea_ref, we_ref, c_ref):
    c_ref[...] = jnp.dot(ea_ref[...], we_ref[...],
                         preferred_element_type=jnp.float32)


_EBLK = 8000
_edge_c = pl.pallas_call(
    _edge_c_body,
    grid=(E // _EBLK,),
    in_specs=[
        pl.BlockSpec((_EBLK, DE), lambda i: (i, 0)),
        pl.BlockSpec((DE, D), lambda i: (0, 0)),
    ],
    out_specs=pl.BlockSpec((_EBLK, D), lambda i: (i, 0)),
    out_shape=jax.ShapeDtypeStruct((E, D), jnp.float32),
)


@functools.partial(
    pl.kernel,
    mesh=plsc.VectorSubcoreMesh(core_axis_name="c", subcore_axis_name="s"),
    out_type=jax.ShapeDtypeStruct((2 * AGG_N, D), jnp.float32),
    scratch_types=[
        pltpu.VMEM((CHUNK,), jnp.int32),
        pltpu.VMEM((CHUNK,), jnp.int32),
        pltpu.VMEM((CHUNK, D), jnp.float32),
        pltpu.VMEM((CHUNK, D), jnp.float32),
        pltpu.VMEM((CHUNK, D), jnp.float32),
        pltpu.VMEM((STAGE, D), jnp.float32),
        pltpu.VMEM_SHARED((AGG_N, D), jnp.float32),
        pltpu.SemaphoreType.DMA,
        pltpu.SemaphoreType.DMA,
    ],
)
def _sc_agg(a_hbm, b_hbm, c_hbm, src_hbm, dst_hbm, out_hbm,
            si_v, di_v, a_v, b_v, c_v, stage_v, agg_sh, sem_a, sem_b):
    cid = lax.axis_index("c")
    sid = lax.axis_index("s")
    row0 = sid * ROWS_PER_TILE
    zero16 = jnp.zeros((16,), jnp.float32)

    def zero_body(r, carry):
        for s in range(D // 16):
            stage_v[r, pl.ds(s * 16, 16)] = zero16
        return carry

    lax.fori_loop(0, STAGE, zero_body, 0)
    for j in range(ROWS_PER_TILE // STAGE):
        pltpu.sync_copy(stage_v, agg_sh.at[pl.ds(row0 + j * STAGE, STAGE)])
    plsc.subcore_barrier()

    ebase = (cid * NS + sid) * E_PER_TILE

    def chunk_body(t, carry):
        base = pl.multiple_of(ebase + t * CHUNK, 8)
        pltpu.sync_copy(src_hbm.at[pl.ds(base, CHUNK)], si_v)
        pltpu.sync_copy(dst_hbm.at[pl.ds(base, CHUNK)], di_v)
        cp_a = pltpu.async_copy(a_hbm.at[si_v], a_v, sem_a)
        cp_b = pltpu.async_copy(b_hbm.at[di_v], b_v, sem_b)
        pltpu.sync_copy(c_hbm.at[pl.ds(base, CHUNK)], c_v)
        cp_a.wait()
        cp_b.wait()

        pltpu.sync_copy(c_v, agg_sh.at[di_v], add=True)
        return carry

    lax.fori_loop(0, CHUNKS_PER_TILE, chunk_body, 0)
    plsc.subcore_barrier()

    out0 = cid * AGG_N + row0
    for j in range(ROWS_PER_TILE // STAGE):
        pltpu.sync_copy(agg_sh.at[pl.ds(row0 + j * STAGE, STAGE)], stage_v)
        pltpu.sync_copy(stage_v, out_hbm.at[pl.ds(out0 + j * STAGE, STAGE)])


def _node_out_body(x_ref, p0_ref, p1_ref, batch_ref, u_ref, w2_ref, b2_ref,
                   o_ref):
    xb = x_ref[...]
    agg = p0_ref[...] + p1_ref[...]
    wu2 = jnp.dot(u_ref[...], w2_ref[2 * D:, :],
                  preferred_element_type=jnp.float32)
    bb = batch_ref[0, 0, :]
    onehot = (bb[:, None] == lax.broadcasted_iota(jnp.int32, (BLK, G), 1)
              ).astype(jnp.float32)
    acc = (jnp.dot(xb, w2_ref[0:D, :], preferred_element_type=jnp.float32)
           + jnp.dot(agg, w2_ref[D:2 * D, :], preferred_element_type=jnp.float32)
           + jnp.dot(onehot, wu2, preferred_element_type=jnp.float32)
           + b2_ref[...])
    o_ref[...] = jnp.maximum(acc, 0.0)


_node_out = pl.pallas_call(
    _node_out_body,
    grid=(NBLK,),
    in_specs=[
        pl.BlockSpec((BLK, D), lambda i: (i, 0)),
        pl.BlockSpec((BLK, D), lambda i: (i, 0)),
        pl.BlockSpec((BLK, D), lambda i: (i, 0)),
        pl.BlockSpec((1, 1, BLK), lambda i: (i, 0, 0)),
        pl.BlockSpec((G, D), lambda i: (0, 0)),
        pl.BlockSpec((2 * D + D, D), lambda i: (0, 0)),
        pl.BlockSpec((1, D), lambda i: (0, 0)),
    ],
    out_specs=pl.BlockSpec((BLK, D), lambda i: (i, 0)),
    out_shape=jax.ShapeDtypeStruct((N, D), jnp.float32),
)


def kernel(x, edge_index, edge_attr, u, batch, W1, b1, W2, b2):
    src = edge_index[0].astype(jnp.int32)
    dst = edge_index[1].astype(jnp.int32)
    batch32 = batch.astype(jnp.int32).reshape(NBLK, 1, BLK)
    a_tab, b_tab = _precompute(x, batch32, u, W1, b1.reshape(1, D))
    c_tab = _edge_c(edge_attr, W1[2 * D:2 * D + DE])
    parts = _sc_agg(a_tab, b_tab, c_tab, src, dst)
    p0 = lax.slice(parts, (0, 0), (N, D))
    p1 = lax.slice(parts, (AGG_N, 0), (AGG_N + N, D))
    return _node_out(x, p0, p1, batch32, u, W2, b2.reshape(1, D))

# --- scband reference (transcript-rebuilt; emitter-appended) ---
"""Pipeline reference for scband-node-model-12077448036506 (READ-ONLY COPY).

The authoritative reference and input builder live on the scoring server;
editing this copy changes nothing except your own understanding.
"""

import jax, jax.numpy as jnp
import numpy as np

N_NODES = 10000
N_EDGES = 320000
D_FEAT = 128
D_EDGE = 16
D_U = 128
N_GRAPHS = 16
OUT_DIM = 128
IN_DIM_MLP1 = 2 * D_FEAT + D_EDGE + D_U  # 400
IN_DIM_MLP2 = D_FEAT + OUT_DIM + D_U     # 384


def setup_inputs(seed: int = 0) -> dict:
    key = jax.random.key(seed)
    ks = jax.random.split(key, 9)
    x = jax.random.normal(ks[0], (N_NODES, D_FEAT), dtype=jnp.float32)
    edge_index = jax.random.randint(ks[1], (2, N_EDGES), 0, N_NODES, dtype=jnp.int64)
    edge_attr = jax.random.normal(ks[2], (N_EDGES, D_EDGE), dtype=jnp.float32)
    u = jax.random.normal(ks[3], (N_GRAPHS, D_U), dtype=jnp.float32)
    batch = jnp.sort(jax.random.randint(ks[4], (N_NODES,), 0, N_GRAPHS, dtype=jnp.int64))
    s1 = 1.0 / np.sqrt(IN_DIM_MLP1)
    W1 = jax.random.uniform(ks[5], (IN_DIM_MLP1, OUT_DIM), dtype=jnp.float32, minval=-s1, maxval=s1)
    b1 = jax.random.uniform(ks[6], (OUT_DIM,), dtype=jnp.float32, minval=-s1, maxval=s1)
    s2 = 1.0 / np.sqrt(IN_DIM_MLP2)
    W2 = jax.random.uniform(ks[7], (IN_DIM_MLP2, OUT_DIM), dtype=jnp.float32, minval=-s2, maxval=s2)
    b2 = jax.random.uniform(ks[8], (OUT_DIM,), dtype=jnp.float32, minval=-s2, maxval=s2)
    return {"x": x, "edge_index": edge_index, "edge_attr": edge_attr, "u": u, "batch": batch,
            "W1": W1, "b1": b1, "W2": W2, "b2": b2}


def reference(x, edge_index, edge_attr, u, batch, W1, b1, W2, b2):
    sources = jnp.take(x, edge_index[0], axis=0)
    dests = jnp.take(x, edge_index[1], axis=0)
    u_edge = jnp.take(u, jnp.take(batch, edge_index[0], axis=0), axis=0)
    edge_input = jnp.concatenate([sources, dests, edge_attr, u_edge], axis=-1)
    e = jax.nn.relu(edge_input @ W1 + b1)
    aggregated_out = jax.ops.segment_sum(e, edge_index[1], num_segments=x.shape[0])
    u_expanded = jnp.take(u, batch, axis=0)
    new_input = jnp.concatenate([x, aggregated_out, u_expanded], axis=1)
    output = jax.nn.relu(new_input @ W2 + b2)
    return output

if __name__ == "__main__":
    import jax
    _d = setup_inputs()
    print(jax.jit(kernel)(*tuple(_d.values())))

</pallas_src>

<mosaic_0001>
#map = affine_map<(d0, d1) -> (0, 0)>
#map1 = affine_map<(d0, d1) -> (0)>
module attributes {stable_mosaic.version = 14 : i64} {
  func.func @_sc_agg(%arg0: i32, %arg1: i32, %arg2: memref<10000x128xf32, #tpu.memory_space<hbm>>, %arg3: memref<10000x128xf32, #tpu.memory_space<hbm>>, %arg4: memref<320000x128xf32, #tpu.memory_space<hbm>>, %arg5: memref<320000xi32, #tpu.memory_space<hbm>>, %arg6: memref<320000xi32, #tpu.memory_space<hbm>>, %arg7: memref<20480x128xf32, #tpu.memory_space<hbm>>, %arg8: memref<80xi32, #tpu.memory_space<vmem>>, %arg9: memref<80xi32, #tpu.memory_space<vmem>>, %arg10: memref<80x128xf32, #tpu.memory_space<vmem>>, %arg11: memref<80x128xf32, #tpu.memory_space<vmem>>, %arg12: memref<80x128xf32, #tpu.memory_space<vmem>>, %arg13: memref<128x128xf32, #tpu.memory_space<vmem>>, %arg14: memref<10240x128xf32, #tpu.memory_space<vmem_shared>>, %arg15: memref<!tpu.dma_semaphore, #tpu.memory_space<semaphore_mem>>, %arg16: memref<!tpu.dma_semaphore, #tpu.memory_space<semaphore_mem>>) attributes {dimension_semantics = [#tpu.dimension_semantics<core_parallel>, #tpu.dimension_semantics<subcore_parallel>], iteration_bounds = array<i64: 2, 16>, scalar_prefetch = 0 : i64, scratch_operands = 9 : i64, tpu.core_type = #tpu.core_type<sc_vector_subcore>, window_params = [{transform_indices = #map}, {transform_indices = #map}, {transform_indices = #map}, {transform_indices = #map1}, {transform_indices = #map1}, {transform_indices = #map}]} {
    %mul3A = arith.constant 640 : i32
    %mul3A_0 = arith.muli %arg1, %mul3A : i32
    %broadcast_in_dim3A = arith.constant 0.000000e+00 : f32
    %broadcast_in_dim3A_1 = vector.broadcast %broadcast_in_dim3A : f32 to vector<16xf32>
    %scan3A = arith.constant 0 : i32
    %scan3A_2 = arith.constant 0 : i32
    %scan3A_3 = arith.constant 128 : i32
    %scan3A_4 = arith.addi %scan3A_2, %scan3A_3 : i32
    %scan3A_5 = arith.constant 1 : i32
    scf.for %scan3A_51 = %scan3A_2 to %scan3A_4 step %scan3A_5  : i32 {
      %swap3A = arith.index_cast %scan3A_51 : i32 to index
      %swap3A_52 = arith.constant 0 : index
      %swap3A_53 = tpu.vector_load %arg13[%swap3A, %swap3A_52] {strides = array<i32>} : memref<128x128xf32, #tpu.memory_space<vmem>>, vector<1x16xf32>,
      %swap3A_54 = vector.shape_cast %swap3A_53 : vector<1x16xf32> to vector<16xf32>
      %swap3A_55 = vector.shape_cast %broadcast_in_dim3A_1 : vector<16xf32> to vector<1x16xf32>
      tpu.vector_store %arg13[%swap3A, %swap3A_52], %swap3A_55 {strides = array<i32>} : memref<128x128xf32, #tpu.memory_space<vmem>>, vector<1x16xf32>,
      %swap3A_56 = arith.index_cast %scan3A_51 : i32 to index
      %swap3A_57 = arith.constant 16 : index
      %swap3A_58 = tpu.vector_load %arg13[%swap3A_56, %swap3A_57] {strides = array<i32>} : memref<128x128xf32, #tpu.memory_space<vmem>>, vector<1x16xf32>,
      %swap3A_59 = vector.shape_cast %swap3A_58 : vector<1x16xf32> to vector<16xf32>
      %swap3A_60 = vector.shape_cast %broadcast_in_dim3A_1 : vector<16xf32> to vector<1x16xf32>
      tpu.vector_store %arg13[%swap3A_56, %swap3A_57], %swap3A_60 {strides = array<i32>} : memref<128x128xf32, #tpu.memory_space<vmem>>, vector<1x16xf32>,
      %swap3A_61 = arith.index_cast %scan3A_51 : i32 to index
      %swap3A_62 = arith.constant 32 : index
      %swap3A_63 = tpu.vector_load %arg13[%swap3A_61, %swap3A_62] {strides = array<i32>} : memref<128x128xf32, #tpu.memory_space<vmem>>, vector<1x16xf32>,
      %swap3A_64 = vector.shape_cast %swap3A_63 : vector<1x16xf32> to vector<16xf32>
      %swap3A_65 = vector.shape_cast %broadcast_in_dim3A_1 : vector<16xf32> to vector<1x16xf32>
      tpu.vector_store %arg13[%swap3A_61, %swap3A_62], %swap3A_65 {strides = array<i32>} : memref<128x128xf32, #tpu.memory_space<vmem>>, vector<1x16xf32>,
      %swap3A_66 = arith.index_cast %scan3A_51 : i32 to index
      %swap3A_67 = arith.constant 48 : index
      %swap3A_68 = tpu.vector_load %arg13[%swap3A_66, %swap3A_67] {strides = array<i32>} : memref<128x128xf32, #tpu.memory_space<vmem>>, vector<1x16xf32>,
      %swap3A_69 = vector.shape_cast %swap3A_68 : vector<1x16xf32> to vector<16xf32>
      %swap3A_70 = vector.shape_cast %broadcast_in_dim3A_1 : vector<16xf32> to vector<1x16xf32>
      tpu.vector_store %arg13[%swap3A_66, %swap3A_67], %swap3A_70 {strides = array<i32>} : memref<128x128xf32, #tpu.memory_space<vmem>>, vector<1x16xf32>,
      %swap3A_71 = arith.index_cast %scan3A_51 : i32 to index
      %swap3A_72 = arith.constant 64 : index
      %swap3A_73 = tpu.vector_load %arg13[%swap3A_71, %swap3A_72] {strides = array<i32>} : memref<128x128xf32, #tpu.memory_space<vmem>>, vector<1x16xf32>,
      %swap3A_74 = vector.shape_cast %swap3A_73 : vector<1x16xf32> to vector<16xf32>
      %swap3A_75 = vector.shape_cast %broadcast_in_dim3A_1 : vector<16xf32> to vector<1x16xf32>
      tpu.vector_store %arg13[%swap3A_71, %swap3A_72], %swap3A_75 {strides = array<i32>} : memref<128x128xf32, #tpu.memory_space<vmem>>, vector<1x16xf32>,
      %swap3A_76 = arith.index_cast %scan3A_51 : i32 to index
      %swap3A_77 = arith.constant 80 : index
      %swap3A_78 = tpu.vector_load %arg13[%swap3A_76, %swap3A_77] {strides = array<i32>} : memref<128x128xf32, #tpu.memory_space<vmem>>, vector<1x16xf32>,
      %swap3A_79 = vector.shape_cast %swap3A_78 : vector<1x16xf32> to vector<16xf32>
      %swap3A_80 = vector.shape_cast %broadcast_in_dim3A_1 : vector<16xf32> to vector<1x16xf32>
      tpu.vector_store %arg13[%swap3A_76, %swap3A_77], %swap3A_80 {strides = array<i32>} : memref<128x128xf32, #tpu.memory_space<vmem>>, vector<1x16xf32>,
      %swap3A_81 = arith.index_cast %scan3A_51 : i32 to index
      %swap3A_82 = arith.constant 96 : index
      %swap3A_83 = tpu.vector_load %arg13[%swap3A_81, %swap3A_82] {strides = array<i32>} : memref<128x128xf32, #tpu.memory_space<vmem>>, vector<1x16xf32>,
      %swap3A_84 = vector.shape_cast %swap3A_83 : vector<1x16xf32> to vector<16xf32>
      %swap3A_85 = vector.shape_cast %broadcast_in_dim3A_1 : vector<16xf32> to vector<1x16xf32>
      tpu.vector_store %arg13[%swap3A_81, %swap3A_82], %swap3A_85 {strides = array<i32>} : memref<128x128xf32, #tpu.memory_space<vmem>>, vector<1x16xf32>,
      %swap3A_86 = arith.index_cast %scan3A_51 : i32 to index
      %swap3A_87 = arith.constant 112 : index
      %swap3A_88 = tpu.vector_load %arg13[%swap3A_86, %swap3A_87] {strides = array<i32>} : memref<128x128xf32, #tpu.memory_space<vmem>>, vector<1x16xf32>,
      %swap3A_89 = vector.shape_cast %swap3A_88 : vector<1x16xf32> to vector<16xf32>
      %swap3A_90 = vector.shape_cast %broadcast_in_dim3A_1 : vector<16xf32> to vector<1x16xf32>
      tpu.vector_store %arg13[%swap3A_86, %swap3A_87], %swap3A_90 {strides = array<i32>} : memref<128x128xf32, #tpu.memory_space<vmem>>, vector<1x16xf32>,
    }
    %scan3A_6 = arith.constant 128 : i32
    %add3A = arith.constant 0 : i32
    %add3A_7 = arith.addi %mul3A_0, %add3A : i32
    "tpu.region"() ({
      %run_scoped3A = tpu.sem_alloc : memref<!tpu.dma_semaphore, #tpu.memory_space<semaphore_mem>>
      %dma_start3A = arith.constant 0 : i32
      %dma_start3A_51 = tpu.memref_slice %arg14[%add3A_7, %dma_start3A] : memref<10240x128xf32, #tpu.memory_space<vmem_shared>> -> memref<128x128xf32, #tpu.memory_space<vmem_shared>>
      %dma_start3A_52 = arith.constant 0 : i32
      %dma_start3A_53 = tpu.memref_slice %arg14[%add3A_7, %dma_start3A_52] : memref<10240x128xf32, #tpu.memory_space<vmem_shared>> -> memref<128x128xf32, #tpu.memory_space<vmem_shared>>
      tpu.enqueue_dma source(%arg13 : memref<128x128xf32, #tpu.memory_space<vmem>>) target(%dma_start3A_53 : memref<128x128xf32, #tpu.memory_space<vmem_shared>>) target_semaphore(%run_scoped3A : memref<!tpu.dma_semaphore, #tpu.memory_space<semaphore_mem>>)
      %dma_wait3A = arith.constant 0 : i32
      %dma_wait3A_54 = tpu.memref_slice %arg14[%add3A_7, %dma_wait3A] : memref<10240x128xf32, #tpu.memory_space<vmem_shared>> -> memref<128x128xf32, #tpu.memory_space<vmem_shared>>
      %dma_wait3A_55 = arith.constant 0 : i32
      %dma_wait3A_56 = tpu.memref_slice %arg14[%add3A_7, %dma_wait3A_55] : memref<10240x128xf32, #tpu.memory_space<vmem_shared>> -> memref<128x128xf32, #tpu.memory_space<vmem_shared>>
      tpu.wait_dma2 semaphore(%run_scoped3A : memref<!tpu.dma_semaphore, #tpu.memory_space<semaphore_mem>>) src(%arg13 : memref<128x128xf32, #tpu.memory_space<vmem>>) dst(%dma_wait3A_56 : memref<128x128xf32, #tpu.memory_space<vmem_shared>>)
      tpu.yield
    }) : () -> ()
    %add3A_8 = arith.constant 128 : i32
    %add3A_9 = arith.addi %mul3A_0, %add3A_8 : i32
    "tpu.region"() ({
      %run_scoped3A = tpu.sem_alloc : memref<!tpu.dma_semaphore, #tpu.memory_space<semaphore_mem>>
      %dma_start3A = arith.constant 0 : i32
      %dma_start3A_51 = tpu.memref_slice %arg14[%add3A_9, %dma_start3A] : memref<10240x128xf32, #tpu.memory_space<vmem_shared>> -> memref<128x128xf32, #tpu.memory_space<vmem_shared>>
      %dma_start3A_52 = arith.constant 0 : i32
      %dma_start3A_53 = tpu.memref_slice %arg14[%add3A_9, %dma_start3A_52] : memref<10240x128xf32, #tpu.memory_space<vmem_shared>> -> memref<128x128xf32, #tpu.memory_space<vmem_shared>>
      tpu.enqueue_dma source(%arg13 : memref<128x128xf32, #tpu.memory_space<vmem>>) target(%dma_start3A_53 : memref<128x128xf32, #tpu.memory_space<vmem_shared>>) target_semaphore(%run_scoped3A : memref<!tpu.dma_semaphore, #tpu.memory_space<semaphore_mem>>)
      %dma_wait3A = arith.constant 0 : i32
      %dma_wait3A_54 = tpu.memref_slice %arg14[%add3A_9, %dma_wait3A] : memref<10240x128xf32, #tpu.memory_space<vmem_shared>> -> memref<128x128xf32, #tpu.memory_space<vmem_shared>>
      %dma_wait3A_55 = arith.constant 0 : i32
      %dma_wait3A_56 = tpu.memref_slice %arg14[%add3A_9, %dma_wait3A_55] : memref<10240x128xf32, #tpu.memory_space<vmem_shared>> -> memref<128x128xf32, #tpu.memory_space<vmem_shared>>
      tpu.wait_dma2 semaphore(%run_scoped3A : memref<!tpu.dma_semaphore, #tpu.memory_space<semaphore_mem>>) src(%arg13 : memref<128x128xf32, #tpu.memory_space<vmem>>) dst(%dma_wait3A_56 : memref<128x128xf32, #tpu.memory_space<vmem_shared>>)
      tpu.yield
    }) : () -> ()
    %add3A_10 = arith.constant 256 : i32
    %add3A_11 = arith.addi %mul3A_0, %add3A_10 : i32
    "tpu.region"() ({
      %run_scoped3A = tpu.sem_alloc : memref<!tpu.dma_semaphore, #tpu.memory_space<semaphore_mem>>
      %dma_start3A = arith.constant 0 : i32
      %dma_start3A_51 = tpu.memref_slice %arg14[%add3A_11, %dma_start3A] : memref<10240x128xf32, #tpu.memory_space<vmem_shared>> -> memref<128x128xf32, #tpu.memory_space<vmem_shared>>
      %dma_start3A_52 = arith.constant 0 : i32
      %dma_start3A_53 = tpu.memref_slice %arg14[%add3A_11, %dma_start3A_52] : memref<10240x128xf32, #tpu.memory_space<vmem_shared>> -> memref<128x128xf32, #tpu.memory_space<vmem_shared>>
      tpu.enqueue_dma source(%arg13 : memref<128x128xf32, #tpu.memory_space<vmem>>) target(%dma_start3A_53 : memref<128x128xf32, #tpu.memory_space<vmem_shared>>) target_semaphore(%run_scoped3A : memref<!tpu.dma_semaphore, #tpu.memory_space<semaphore_mem>>)
      %dma_wait3A = arith.constant 0 : i32
      %dma_wait3A_54 = tpu.memref_slice %arg14[%add3A_11, %dma_wait3A] : memref<10240x128xf32, #tpu.memory_space<vmem_shared>> -> memref<128x128xf32, #tpu.memory_space<vmem_shared>>
      %dma_wait3A_55 = arith.constant 0 : i32
      %dma_wait3A_56 = tpu.memref_slice %arg14[%add3A_11, %dma_wait3A_55] : memref<10240x128xf32, #tpu.memory_space<vmem_shared>> -> memref<128x128xf32, #tpu.memory_space<vmem_shared>>
      tpu.wait_dma2 semaphore(%run_scoped3A : memref<!tpu.dma_semaphore, #tpu.memory_space<semaphore_mem>>) src(%arg13 : memref<128x128xf32, #tpu.memory_space<vmem>>) dst(%dma_wait3A_56 : memref<128x128xf32, #tpu.memory_space<vmem_shared>>)
      tpu.yield
    }) : () -> ()
    %add3A_12 = arith.constant 384 : i32
    %add3A_13 = arith.addi %mul3A_0, %add3A_12 : i32
    "tpu.region"() ({
      %run_scoped3A = tpu.sem_alloc : memref<!tpu.dma_semaphore, #tpu.memory_space<semaphore_mem>>
      %dma_start3A = arith.constant 0 : i32
      %dma_start3A_51 = tpu.memref_slice %arg14[%add3A_13, %dma_start3A] : memref<10240x128xf32, #tpu.memory_space<vmem_shared>> -> memref<128x128xf32, #tpu.memory_space<vmem_shared>>
      %dma_start3A_52 = arith.constant 0 : i32
      %dma_start3A_53 = tpu.memref_slice %arg14[%add3A_13, %dma_start3A_52] : memref<10240x128xf32, #tpu.memory_space<vmem_shared>> -> memref<128x128xf32, #tpu.memory_space<vmem_shared>>
      tpu.enqueue_dma source(%arg13 : memref<128x128xf32, #tpu.memory_space<vmem>>) target(%dma_start3A_53 : memref<128x128xf32, #tpu.memory_space<vmem_shared>>) target_semaphore(%run_scoped3A : memref<!tpu.dma_semaphore, #tpu.memory_space<semaphore_mem>>)
      %dma_wait3A = arith.constant 0 : i32
      %dma_wait3A_54 = tpu.memref_slice %arg14[%add3A_13, %dma_wait3A] : memref<10240x128xf32, #tpu.memory_space<vmem_shared>> -> memref<128x128xf32, #tpu.memory_space<vmem_shared>>
      %dma_wait3A_55 = arith.constant 0 : i32
      %dma_wait3A_56 = tpu.memref_slice %arg14[%add3A_13, %dma_wait3A_55] : memref<10240x128xf32, #tpu.memory_space<vmem_shared>> -> memref<128x128xf32, #tpu.memory_space<vmem_shared>>
      tpu.wait_dma2 semaphore(%run_scoped3A : memref<!tpu.dma_semaphore, #tpu.memory_space<semaphore_mem>>) src(%arg13 : memref<128x128xf32, #tpu.memory_space<vmem>>) dst(%dma_wait3A_56 : memref<128x128xf32, #tpu.memory_space<vmem_shared>>)
      tpu.yield
    }) : () -> ()
    %add3A_14 = arith.constant 512 : i32
    %add3A_15 = arith.addi %mul3A_0, %add3A_14 : i32
    "tpu.region"() ({
      %run_scoped3A = tpu.sem_alloc : memref<!tpu.dma_semaphore, #tpu.memory_space<semaphore_mem>>
      %dma_start3A = arith.constant 0 : i32
      %dma_start3A_51 = tpu.memref_slice %arg14[%add3A_15, %dma_start3A] : memref<10240x128xf32, #tpu.memory_space<vmem_shared>> -> memref<128x128xf32, #tpu.memory_space<vmem_shared>>
      %dma_start3A_52 = arith.constant 0 : i32
      %dma_start3A_53 = tpu.memref_slice %arg14[%add3A_15, %dma_start3A_52] : memref<10240x128xf32, #tpu.memory_space<vmem_shared>> -> memref<128x128xf32, #tpu.memory_space<vmem_shared>>
      tpu.enqueue_dma source(%arg13 : memref<128x128xf32, #tpu.memory_space<vmem>>) target(%dma_start3A_53 : memref<128x128xf32, #tpu.memory_space<vmem_shared>>) target_semaphore(%run_scoped3A : memref<!tpu.dma_semaphore, #tpu.memory_space<semaphore_mem>>)
      %dma_wait3A = arith.constant 0 : i32
      %dma_wait3A_54 = tpu.memref_slice %arg14[%add3A_15, %dma_wait3A] : memref<10240x128xf32, #tpu.memory_space<vmem_shared>> -> memref<128x128xf32, #tpu.memory_space<vmem_shared>>
      %dma_wait3A_55 = arith.constant 0 : i32
      %dma_wait3A_56 = tpu.memref_slice %arg14[%add3A_15, %dma_wait3A_55] : memref<10240x128xf32, #tpu.memory_space<vmem_shared>> -> memref<128x128xf32, #tpu.memory_space<vmem_shared>>
      tpu.wait_dma2 semaphore(%run_scoped3A : memref<!tpu.dma_semaphore, #tpu.memory_space<semaphore_mem>>) src(%arg13 : memref<128x128xf32, #tpu.memory_space<vmem>>) dst(%dma_wait3A_56 : memref<128x128xf32, #tpu.memory_space<vmem_shared>>)
      tpu.yield
    }) : () -> ()
    %barrier3A = arith.constant 0 : index
    tpu.barrier barrier_id(%barrier3A)
    %mul3A_16 = arith.constant 16 : i32
    %mul3A_17 = arith.muli %arg0, %mul3A_16 : i32
    %add3A_18 = arith.addi %mul3A_17, %arg1 : i32
    %mul3A_19 = arith.constant 10000 : i32
    %mul3A_20 = arith.muli %add3A_18, %mul3A_19 : i32
    %scan3A_21 = arith.constant 0 : i32
    %scan3A_22 = arith.constant 0 : i32
    %scan3A_23 = arith.constant 125 : i32
    %scan3A_24 = arith.addi %scan3A_22, %scan3A_23 : i32
    %scan3A_25 = arith.constant 1 : i32
    scf.for %scan3A_51 = %scan3A_22 to %scan3A_24 step %scan3A_25  : i32 {
      %mul3A_52 = arith.constant 80 : i32
      %mul3A_53 = arith.muli %scan3A_51, %mul3A_52 : i32
      %add3A_54 = arith.addi %mul3A_20, %mul3A_53 : i32
      %multiple_of3A = tpu.assume_multiple %add3A_54, 8 : i32
      "tpu.region"() ({
        %run_scoped3A = tpu.sem_alloc : memref<!tpu.dma_semaphore, #tpu.memory_space<semaphore_mem>>
        %dma_start3A_65 = tpu.memref_slice %arg5[%multiple_of3A] : memref<320000xi32, #tpu.memory_space<hbm>> -> memref<80xi32, #tpu.memory_space<hbm>>
        %dma_start3A_66 = tpu.memref_slice %arg5[%multiple_of3A] : memref<320000xi32, #tpu.memory_space<hbm>> -> memref<80xi32, #tpu.memory_space<hbm>>
        tpu.enqueue_dma source(%dma_start3A_66 : memref<80xi32, #tpu.memory_space<hbm>>) target(%arg8 : memref<80xi32, #tpu.memory_space<vmem>>) target_semaphore(%run_scoped3A : memref<!tpu.dma_semaphore, #tpu.memory_space<semaphore_mem>>)
        %dma_wait3A_67 = tpu.memref_slice %arg5[%multiple_of3A] : memref<320000xi32, #tpu.memory_space<hbm>> -> memref<80xi32, #tpu.memory_space<hbm>>
        %dma_wait3A_68 = tpu.memref_slice %arg5[%multiple_of3A] : memref<320000xi32, #tpu.memory_space<hbm>> -> memref<80xi32, #tpu.memory_space<hbm>>
        tpu.wait_dma2 semaphore(%run_scoped3A : memref<!tpu.dma_semaphore, #tpu.memory_space<semaphore_mem>>) src(%dma_wait3A_68 : memref<80xi32, #tpu.memory_space<hbm>>) dst(%arg8 : memref<80xi32, #tpu.memory_space<vmem>>)
        tpu.yield
      }) : () -> ()
      "tpu.region"() ({
        %run_scoped3A = tpu.sem_alloc : memref<!tpu.dma_semaphore, #tpu.memory_space<semaphore_mem>>
        %dma_start3A_65 = tpu.memref_slice %arg6[%multiple_of3A] : memref<320000xi32, #tpu.memory_space<hbm>> -> memref<80xi32, #tpu.memory_space<hbm>>
        %dma_start3A_66 = tpu.memref_slice %arg6[%multiple_of3A] : memref<320000xi32, #tpu.memory_space<hbm>> -> memref<80xi32, #tpu.memory_space<hbm>>
        tpu.enqueue_dma source(%dma_start3A_66 : memref<80xi32, #tpu.memory_space<hbm>>) target(%arg9 : memref<80xi32, #tpu.memory_space<vmem>>) target_semaphore(%run_scoped3A : memref<!tpu.dma_semaphore, #tpu.memory_space<semaphore_mem>>)
        %dma_wait3A_67 = tpu.memref_slice %arg6[%multiple_of3A] : memref<320000xi32, #tpu.memory_space<hbm>> -> memref<80xi32, #tpu.memory_space<hbm>>
        %dma_wait3A_68 = tpu.memref_slice %arg6[%multiple_of3A] : memref<320000xi32, #tpu.memory_space<hbm>> -> memref<80xi32, #tpu.memory_space<hbm>>
        tpu.wait_dma2 semaphore(%run_scoped3A : memref<!tpu.dma_semaphore, #tpu.memory_space<semaphore_mem>>) src(%dma_wait3A_68 : memref<80xi32, #tpu.memory_space<hbm>>) dst(%arg9 : memref<80xi32, #tpu.memory_space<vmem>>)
        tpu.yield
      }) : () -> ()
      %dma_start3A = arith.constant 0 : i32
      %dma_start3A_55 = arith.constant 0 : i32
      %dma_start3A_56 = tpu.memref_slice %arg2[%dma_start3A, %dma_start3A_55] : memref<10000x128xf32, #tpu.memory_space<hbm>> -> memref<10000x128xf32, #tpu.memory_space<hbm>>
      tpu.enqueue_indirect_dma source(%dma_start3A_56 : memref<10000x128xf32, #tpu.memory_space<hbm>>) target(%arg10 : memref<80x128xf32, #tpu.memory_space<vmem>>) offsets(%arg8 : memref<80xi32, #tpu.memory_space<vmem>>) semaphore(%arg15 : memref<!tpu.dma_semaphore, #tpu.memory_space<semaphore_mem>>)
      %dma_start3A_57 = arith.constant 0 : i32
      %dma_start3A_58 = arith.constant 0 : i32
      %dma_start3A_59 = tpu.memref_slice %arg3[%dma_start3A_57, %dma_start3A_58] : memref<10000x128xf32, #tpu.memory_space<hbm>> -> memref<10000x128xf32, #tpu.memory_space<hbm>>
      tpu.enqueue_indirect_dma source(%dma_start3A_59 : memref<10000x128xf32, #tpu.memory_space<hbm>>) target(%arg11 : memref<80x128xf32, #tpu.memory_space<vmem>>) offsets(%arg9 : memref<80xi32, #tpu.memory_space<vmem>>) semaphore(%arg16 : memref<!tpu.dma_semaphore, #tpu.memory_space<semaphore_mem>>)
      "tpu.region"() ({
        %run_scoped3A = tpu.sem_alloc : memref<!tpu.dma_semaphore, #tpu.memory_space<semaphore_mem>>
        %dma_start3A_65 = arith.constant 0 : i32
        %dma_start3A_66 = tpu.memref_slice %arg4[%multiple_of3A, %dma_start3A_65] : memref<320000x128xf32, #tpu.memory_space<hbm>> -> memref<80x128xf32, #tpu.memory_space<hbm>>
        %dma_start3A_67 = arith.constant 0 : i32
        %dma_start3A_68 = tpu.memref_slice %arg4[%multiple_of3A, %dma_start3A_67] : memref<320000x128xf32, #tpu.memory_space<hbm>> -> memref<80x128xf32, #tpu.memory_space<hbm>>
        tpu.enqueue_dma source(%dma_start3A_68 : memref<80x128xf32, #tpu.memory_space<hbm>>) target(%arg12 : memref<80x128xf32, #tpu.memory_space<vmem>>) target_semaphore(%run_scoped3A : memref<!tpu.dma_semaphore, #tpu.memory_space<semaphore_mem>>)
        %dma_wait3A_69 = arith.constant 0 : i32
        %dma_wait3A_70 = tpu.memref_slice %arg4[%multiple_of3A, %dma_wait3A_69] : memref<320000x128xf32, #tpu.memory_space<hbm>> -> memref<80x128xf32, #tpu.memory_space<hbm>>
        %dma_wait3A_71 = arith.constant 0 : i32
        %dma_wait3A_72 = tpu.memref_slice %arg4[%multiple_of3A, %dma_wait3A_71] : memref<320000x128xf32, #tpu.memory_space<hbm>> -> memref<80x128xf32, #tpu.memory_space<hbm>>
        tpu.wait_dma2 semaphore(%run_scoped3A : memref<!tpu.dma_semaphore, #tpu.memory_space<semaphore_mem>>) src(%dma_wait3A_72 : memref<80x128xf32, #tpu.memory_space<hbm>>) dst(%arg12 : memref<80x128xf32, #tpu.memory_space<vmem>>)
        tpu.yield
      }) : () -> ()
      %dma_wait3A = arith.constant 0 : i32
      %dma_wait3A_60 = arith.constant 0 : i32
      %dma_wait3A_61 = tpu.memref_slice %arg2[%dma_wait3A, %dma_wait3A_60] : memref<10000x128xf32, #tpu.memory_space<hbm>> -> memref<10000x128xf32, #tpu.memory_space<hbm>>
      tpu.wait_indirect_dma semaphore(%arg15 : memref<!tpu.dma_semaphore, #tpu.memory_space<semaphore_mem>>) src(%dma_wait3A_61 : memref<10000x128xf32, #tpu.memory_space<hbm>>) dst(%arg10 : memref<80x128xf32, #tpu.memory_space<vmem>>)
      %dma_wait3A_62 = arith.constant 0 : i32
      %dma_wait3A_63 = arith.constant 0 : i32
      %dma_wait3A_64 = tpu.memref_slice %arg3[%dma_wait3A_62, %dma_wait3A_63] : memref<10000x128xf32, #tpu.memory_space<hbm>> -> memref<10000x128xf32, #tpu.memory_space<hbm>>
      tpu.wait_indirect_dma semaphore(%arg16 : memref<!tpu.dma_semaphore, #tpu.memory_space<semaphore_mem>>) src(%dma_wait3A_64 : memref<10000x128xf32, #tpu.memory_space<hbm>>) dst(%arg11 : memref<80x128xf32, #tpu.memory_space<vmem>>)
      "tpu.region"() ({
        %run_scoped3A = tpu.sem_alloc : memref<!tpu.dma_semaphore, #tpu.memory_space<semaphore_mem>>
        %dma_start3A_65 = arith.constant 0 : i32
        %dma_start3A_66 = arith.constant 0 : i32
        %dma_start3A_67 = tpu.memref_slice %arg14[%dma_start3A_65, %dma_start3A_66] : memref<10240x128xf32, #tpu.memory_space<vmem_shared>> -> memref<10240x128xf32, #tpu.memory_space<vmem_shared>>
        tpu.enqueue_indirect_dma source(%arg12 : memref<80x128xf32, #tpu.memory_space<vmem>>) target(%dma_start3A_67 : memref<10240x128xf32, #tpu.memory_space<vmem_shared>>) offsets(%arg9 : memref<80xi32, #tpu.memory_space<vmem>>) semaphore(%run_scoped3A : memref<!tpu.dma_semaphore, #tpu.memory_space<semaphore_mem>>) {add = true}
        %dma_wait3A_68 = arith.constant 0 : i32
        %dma_wait3A_69 = arith.constant 0 : i32
        %dma_wait3A_70 = tpu.memref_slice %arg14[%dma_wait3A_68, %dma_wait3A_69] : memref<10240x128xf32, #tpu.memory_space<vmem_shared>> -> memref<10240x128xf32, #tpu.memory_space<vmem_shared>>
        tpu.wait_indirect_dma semaphore(%run_scoped3A : memref<!tpu.dma_semaphore, #tpu.memory_space<semaphore_mem>>) src(%arg12 : memref<80x128xf32, #tpu.memory_space<vmem>>) dst(%dma_wait3A_70 : memref<10240x128xf32, #tpu.memory_space<vmem_shared>>)
        tpu.yield
      }) : () -> ()
    }
    %scan3A_26 = arith.constant 125 : i32
    %barrier3A_27 = arith.constant 0 : index
    tpu.barrier barrier_id(%barrier3A_27)
    %mul3A_28 = arith.constant 10240 : i32
    %mul3A_29 = arith.muli %arg0, %mul3A_28 : i32
    %add3A_30 = arith.addi %mul3A_29, %mul3A_0 : i32
    %add3A_31 = arith.constant 0 : i32
    %add3A_32 = arith.addi %mul3A_0, %add3A_31 : i32
    "tpu.region"() ({
      %run_scoped3A = tpu.sem_alloc : memref<!tpu.dma_semaphore, #tpu.memory_space<semaphore_mem>>
      %dma_start3A = arith.constant 0 : i32
      %dma_start3A_51 = tpu.memref_slice %arg14[%add3A_32, %dma_start3A] : memref<10240x128xf32, #tpu.memory_space<vmem_shared>> -> memref<128x128xf32, #tpu.memory_space<vmem_shared>>
      %dma_start3A_52 = arith.constant 0 : i32
      %dma_start3A_53 = tpu.memref_slice %arg14[%add3A_32, %dma_start3A_52] : memref<10240x128xf32, #tpu.memory_space<vmem_shared>> -> memref<128x128xf32, #tpu.memory_space<vmem_shared>>
      tpu.enqueue_dma source(%dma_start3A_53 : memref<128x128xf32, #tpu.memory_space<vmem_shared>>) target(%arg13 : memref<128x128xf32, #tpu.memory_space<vmem>>) target_semaphore(%run_scoped3A : memref<!tpu.dma_semaphore, #tpu.memory_space<semaphore_mem>>)
      %dma_wait3A = arith.constant 0 : i32
      %dma_wait3A_54 = tpu.memref_slice %arg14[%add3A_32, %dma_wait3A] : memref<10240x128xf32, #tpu.memory_space<vmem_shared>> -> memref<128x128xf32, #tpu.memory_space<vmem_shared>>
      %dma_wait3A_55 = arith.constant 0 : i32
      %dma_wait3A_56 = tpu.memref_slice %arg14[%add3A_32, %dma_wait3A_55] : memref<10240x128xf32, #tpu.memory_space<vmem_shared>> -> memref<128x128xf32, #tpu.memory_space<vmem_shared>>
      tpu.wait_dma2 semaphore(%run_scoped3A : memref<!tpu.dma_semaphore, #tpu.memory_space<semaphore_mem>>) src(%dma_wait3A_56 : memref<128x128xf32, #tpu.memory_space<vmem_shared>>) dst(%arg13 : memref<128x128xf32, #tpu.memory_space<vmem>>)
      tpu.yield
    }) : () -> ()
    %add3A_33 = arith.constant 0 : i32
    %add3A_34 = arith.addi %add3A_30, %add3A_33 : i32
    "tpu.region"() ({
      %run_scoped3A = tpu.sem_alloc : memref<!tpu.dma_semaphore, #tpu.memory_space<semaphore_mem>>
      %dma_start3A = arith.constant 0 : i32
      %dma_start3A_51 = tpu.memref_slice %arg7[%add3A_34, %dma_start3A] : memref<20480x128xf32, #tpu.memory_space<hbm>> -> memref<128x128xf32, #tpu.memory_space<hbm>>
      %dma_start3A_52 = arith.constant 0 : i32
      %dma_start3A_53 = tpu.memref_slice %arg7[%add3A_34, %dma_start3A_52] : memref<20480x128xf32, #tpu.memory_space<hbm>> -> memref<128x128xf32, #tpu.memory_space<hbm>>
      tpu.enqueue_dma source(%arg13 : memref<128x128xf32, #tpu.memory_space<vmem>>) target(%dma_start3A_53 : memref<128x128xf32, #tpu.memory_space<hbm>>) target_semaphore(%run_scoped3A : memref<!tpu.dma_semaphore, #tpu.memory_space<semaphore_mem>>)
      %dma_wait3A = arith.constant 0 : i32
      %dma_wait3A_54 = tpu.memref_slice %arg7[%add3A_34, %dma_wait3A] : memref<20480x128xf32, #tpu.memory_space<hbm>> -> memref<128x128xf32, #tpu.memory_space<hbm>>
      %dma_wait3A_55 = arith.constant 0 : i32
      %dma_wait3A_56 = tpu.memref_slice %arg7[%add3A_34, %dma_wait3A_55] : memref<20480x128xf32, #tpu.memory_space<hbm>> -> memref<128x128xf32, #tpu.memory_space<hbm>>
      tpu.wait_dma2 semaphore(%run_scoped3A : memref<!tpu.dma_semaphore, #tpu.memory_space<semaphore_mem>>) src(%arg13 : memref<128x128xf32, #tpu.memory_space<vmem>>) dst(%dma_wait3A_56 : memref<128x128xf32, #tpu.memory_space<hbm>>)
      tpu.yield
    }) : () -> ()
    %add3A_35 = arith.constant 128 : i32
    %add3A_36 = arith.addi %mul3A_0, %add3A_35 : i32
    "tpu.region"() ({
      %run_scoped3A = tpu.sem_alloc : memref<!tpu.dma_semaphore, #tpu.memory_space<semaphore_mem>>
      %dma_start3A = arith.constant 0 : i32
      %dma_start3A_51 = tpu.memref_slice %arg14[%add3A_36, %dma_start3A] : memref<10240x128xf32, #tpu.memory_space<vmem_shared>> -> memref<128x128xf32, #tpu.memory_space<vmem_shared>>
      %dma_start3A_52 = arith.constant 0 : i32
      %dma_start3A_53 = tpu.memref_slice %arg14[%add3A_36, %dma_start3A_52] : memref<10240x128xf32, #tpu.memory_space<vmem_shared>> -> memref<128x128xf32, #tpu.memory_space<vmem_shared>>
      tpu.enqueue_dma source(%dma_start3A_53 : memref<128x128xf32, #tpu.memory_space<vmem_shared>>) target(%arg13 : memref<128x128xf32, #tpu.memory_space<vmem>>) target_semaphore(%run_scoped3A : memref<!tpu.dma_semaphore, #tpu.memory_space<semaphore_mem>>)
      %dma_wait3A = arith.constant 0 : i32
      %dma_wait3A_54 = tpu.memref_slice %arg14[%add3A_36, %dma_wait3A] : memref<10240x128xf32, #tpu.memory_space<vmem_shared>> -> memref<128x128xf32, #tpu.memory_space<vmem_shared>>
      %dma_wait3A_55 = arith.constant 0 : i32
      %dma_wait3A_56 = tpu.memref_slice %arg14[%add3A_36, %dma_wait3A_55] : memref<10240x128xf32, #tpu.memory_space<vmem_shared>> -> memref<128x128xf32, #tpu.memory_space<vmem_shared>>
      tpu.wait_dma2 semaphore(%run_scoped3A : memref<!tpu.dma_semaphore, #tpu.memory_space<semaphore_mem>>) src(%dma_wait3A_56 : memref<128x128xf32, #tpu.memory_space<vmem_shared>>) dst(%arg13 : memref<128x128xf32, #tpu.memory_space<vmem>>)
      tpu.yield
    }) : () -> ()
    %add3A_37 = arith.constant 128 : i32
    %add3A_38 = arith.addi %add3A_30, %add3A_37 : i32
    "tpu.region"() ({
      %run_scoped3A = tpu.sem_alloc : memref<!tpu.dma_semaphore, #tpu.memory_space<semaphore_mem>>
      %dma_start3A = arith.constant 0 : i32
      %dma_start3A_51 = tpu.memref_slice %arg7[%add3A_38, %dma_start3A] : memref<20480x128xf32, #tpu.memory_space<hbm>> -> memref<128x128xf32, #tpu.memory_space<hbm>>
      %dma_start3A_52 = arith.constant 0 : i32
      %dma_start3A_53 = tpu.memref_slice %arg7[%add3A_38, %dma_start3A_52] : memref<20480x128xf32, #tpu.memory_space<hbm>> -> memref<128x128xf32, #tpu.memory_space<hbm>>
      tpu.enqueue_dma source(%arg13 : memref<128x128xf32, #tpu.memory_space<vmem>>) target(%dma_start3A_53 : memref<128x128xf32, #tpu.memory_space<hbm>>) target_semaphore(%run_scoped3A : memref<!tpu.dma_semaphore, #tpu.memory_space<semaphore_mem>>)
      %dma_wait3A = arith.constant 0 : i32
      %dma_wait3A_54 = tpu.memref_slice %arg7[%add3A_38, %dma_wait3A] : memref<20480x128xf32, #tpu.memory_space<hbm>> -> memref<128x128xf32, #tpu.memory_space<hbm>>
      %dma_wait3A_55 = arith.constant 0 : i32
      %dma_wait3A_56 = tpu.memref_slice %arg7[%add3A_38, %dma_wait3A_55] : memref<20480x128xf32, #tpu.memory_space<hbm>> -> memref<128x128xf32, #tpu.memory_space<hbm>>
      tpu.wait_dma2 semaphore(%run_scoped3A : memref<!tpu.dma_semaphore, #tpu.memory_space<semaphore_mem>>) src(%arg13 : memref<128x128xf32, #tpu.memory_space<vmem>>) dst(%dma_wait3A_56 : memref<128x128xf32, #tpu.memory_space<hbm>>)
      tpu.yield
    }) : () -> ()
    %add3A_39 = arith.constant 256 : i32
    %add3A_40 = arith.addi %mul3A_0, %add3A_39 : i32
    "tpu.region"() ({
      %run_scoped3A = tpu.sem_alloc : memref<!tpu.dma_semaphore, #tpu.memory_space<semaphore_mem>>
      %dma_start3A = arith.constant 0 : i32
      %dma_start3A_51 = tpu.memref_slice %arg14[%add3A_40, %dma_start3A] : memref<10240x128xf32, #tpu.memory_space<vmem_shared>> -> memref<128x128xf32, #tpu.memory_space<vmem_shared>>
      %dma_start3A_52 = arith.constant 0 : i32
      %dma_start3A_53 = tpu.memref_slice %arg14[%add3A_40, %dma_start3A_52] : memref<10240x128xf32, #tpu.memory_space<vmem_shared>> -> memref<128x128xf32, #tpu.memory_space<vmem_shared>>
      tpu.enqueue_dma source(%dma_start3A_53 : memref<128x128xf32, #tpu.memory_space<vmem_shared>>) target(%arg13 : memref<128x128xf32, #tpu.memory_space<vmem>>) target_semaphore(%run_scoped3A : memref<!tpu.dma_semaphore, #tpu.memory_space<semaphore_mem>>)
      %dma_wait3A = arith.constant 0 : i32
      %dma_wait3A_54 = tpu.memref_slice %arg14[%add3A_40, %dma_wait3A] : memref<10240x128xf32, #tpu.memory_space<vmem_shared>> -> memref<128x128xf32, #tpu.memory_space<vmem_shared>>
      %dma_wait3A_55 = arith.constant 0 : i32
      %dma_wait3A_56 = tpu.memref_slice %arg14[%add3A_40, %dma_wait3A_55] : memref<10240x128xf32, #tpu.memory_space<vmem_shared>> -> memref<128x128xf32, #tpu.memory_space<vmem_shared>>
      tpu.wait_dma2 semaphore(%run_scoped3A : memref<!tpu.dma_semaphore, #tpu.memory_space<semaphore_mem>>) src(%dma_wait3A_56 : memref<128x128xf32, #tpu.memory_space<vmem_shared>>) dst(%arg13 : memref<128x128xf32, #tpu.memory_space<vmem>>)
      tpu.yield
    }) : () -> ()
    %add3A_41 = arith.constant 256 : i32
    %add3A_42 = arith.addi %add3A_30, %add3A_41 : i32
    "tpu.region"() ({
      %run_scoped3A = tpu.sem_alloc : memref<!tpu.dma_semaphore, #tpu.memory_space<semaphore_mem>>
      %dma_start3A = arith.constant 0 : i32
      %dma_start3A_51 = tpu.memref_slice %arg7[%add3A_42, %dma_start3A] : memref<20480x128xf32, #tpu.memory_space<hbm>> -> memref<128x128xf32, #tpu.memory_space<hbm>>
      %dma_start3A_52 = arith.constant 0 : i32
      %dma_start3A_53 = tpu.memref_slice %arg7[%add3A_42, %dma_start3A_52] : memref<20480x128xf32, #tpu.memory_space<hbm>> -> memref<128x128xf32, #tpu.memory_space<hbm>>
      tpu.enqueue_dma source(%arg13 : memref<128x128xf32, #tpu.memory_space<vmem>>) target(%dma_start3A_53 : memref<128x128xf32, #tpu.memory_space<hbm>>) target_semaphore(%run_scoped3A : memref<!tpu.dma_semaphore, #tpu.memory_space<semaphore_mem>>)
      %dma_wait3A = arith.constant 0 : i32
      %dma_wait3A_54 = tpu.memref_slice %arg7[%add3A_42, %dma_wait3A] : memref<20480x128xf32, #tpu.memory_space<hbm>> -> memref<128x128xf32, #tpu.memory_space<hbm>>
      %dma_wait3A_55 = arith.constant 0 : i32
      %dma_wait3A_56 = tpu.memref_slice %arg7[%add3A_42, %dma_wait3A_55] : memref<20480x128xf32, #tpu.memory_space<hbm>> -> memref<128x128xf32, #tpu.memory_space<hbm>>
      tpu.wait_dma2 semaphore(%run_scoped3A : memref<!tpu.dma_semaphore, #tpu.memory_space<semaphore_mem>>) src(%arg13 : memref<128x128xf32, #tpu.memory_space<vmem>>) dst(%dma_wait3A_56 : memref<128x128xf32, #tpu.memory_space<hbm>>)
      tpu.yield
    }) : () -> ()
    %add3A_43 = arith.constant 384 : i32
    %add3A_44 = arith.addi %mul3A_0, %add3A_43 : i32
    "tpu.region"() ({
      %run_scoped3A = tpu.sem_alloc : memref<!tpu.dma_semaphore, #tpu.memory_space<semaphore_mem>>
      %dma_start3A = arith.constant 0 : i32
      %dma_start3A_51 = tpu.memref_slice %arg14[%add3A_44, %dma_start3A] : memref<10240x128xf32, #tpu.memory_space<vmem_shared>> -> memref<128x128xf32, #tpu.memory_space<vmem_shared>>
      %dma_start3A_52 = arith.constant 0 : i32
      %dma_start3A_53 = tpu.memref_slice %arg14[%add3A_44, %dma_start3A_52] : memref<10240x128xf32, #tpu.memory_space<vmem_shared>> -> memref<128x128xf32, #tpu.memory_space<vmem_shared>>
      tpu.enqueue_dma source(%dma_start3A_53 : memref<128x128xf32, #tpu.memory_space<vmem_shared>>) target(%arg13 : memref<128x128xf32, #tpu.memory_space<vmem>>) target_semaphore(%run_scoped3A : memref<!tpu.dma_semaphore, #tpu.memory_space<semaphore_mem>>)
      %dma_wait3A = arith.constant 0 : i32
      %dma_wait3A_54 = tpu.memref_slice %arg14[%add3A_44, %dma_wait3A] : memref<10240x128xf32, #tpu.memory_space<vmem_shared>> -> memref<128x128xf32, #tpu.memory_space<vmem_shared>>
      %dma_wait3A_55 = arith.constant 0 : i32
      %dma_wait3A_56 = tpu.memref_slice %arg14[%add3A_44, %dma_wait3A_55] : memref<10240x128xf32, #tpu.memory_space<vmem_shared>> -> memref<128x128xf32, #tpu.memory_space<vmem_shared>>
      tpu.wait_dma2 semaphore(%run_scoped3A : memref<!tpu.dma_semaphore, #tpu.memory_space<semaphore_mem>>) src(%dma_wait3A_56 : memref<128x128xf32, #tpu.memory_space<vmem_shared>>) dst(%arg13 : memref<128x128xf32, #tpu.memory_space<vmem>>)
      tpu.yield
    }) : () -> ()
    %add3A_45 = arith.constant 384 : i32
    %add3A_46 = arith.addi %add3A_30, %add3A_45 : i32
    "tpu.region"() ({
      %run_scoped3A = tpu.sem_alloc : memref<!tpu.dma_semaphore, #tpu.memory_space<semaphore_mem>>
      %dma_start3A = arith.constant 0 : i32
      %dma_start3A_51 = tpu.memref_slice %arg7[%add3A_46, %dma_start3A] : memref<20480x128xf32, #tpu.memory_space<hbm>> -> memref<128x128xf32, #tpu.memory_space<hbm>>
      %dma_start3A_52 = arith.constant 0 : i32
      %dma_start3A_53 = tpu.memref_slice %arg7[%add3A_46, %dma_start3A_52] : memref<20480x128xf32, #tpu.memory_space<hbm>> -> memref<128x128xf32, #tpu.memory_space<hbm>>
      tpu.enqueue_dma source(%arg13 : memref<128x128xf32, #tpu.memory_space<vmem>>) target(%dma_start3A_53 : memref<128x128xf32, #tpu.memory_space<hbm>>) target_semaphore(%run_scoped3A : memref<!tpu.dma_semaphore, #tpu.memory_space<semaphore_mem>>)
      %dma_wait3A = arith.constant 0 : i32
      %dma_wait3A_54 = tpu.memref_slice %arg7[%add3A_46, %dma_wait3A] : memref<20480x128xf32, #tpu.memory_space<hbm>> -> memref<128x128xf32, #tpu.memory_space<hbm>>
      %dma_wait3A_55 = arith.constant 0 : i32
      %dma_wait3A_56 = tpu.memref_slice %arg7[%add3A_46, %dma_wait3A_55] : memref<20480x128xf32, #tpu.memory_space<hbm>> -> memref<128x128xf32, #tpu.memory_space<hbm>>
      tpu.wait_dma2 semaphore(%run_scoped3A : memref<!tpu.dma_semaphore, #tpu.memory_space<semaphore_mem>>) src(%arg13 : memref<128x128xf32, #tpu.memory_space<vmem>>) dst(%dma_wait3A_56 : memref<128x128xf32, #tpu.memory_space<hbm>>)
      tpu.yield
    }) : () -> ()
    %add3A_47 = arith.constant 512 : i32
    %add3A_48 = arith.addi %mul3A_0, %add3A_47 : i32
    "tpu.region"() ({
      %run_scoped3A = tpu.sem_alloc : memref<!tpu.dma_semaphore, #tpu.memory_space<semaphore_mem>>
      %dma_start3A = arith.constant 0 : i32
      %dma_start3A_51 = tpu.memref_slice %arg14[%add3A_48, %dma_start3A] : memref<10240x128xf32, #tpu.memory_space<vmem_shared>> -> memref<128x128xf32, #tpu.memory_space<vmem_shared>>
      %dma_start3A_52 = arith.constant 0 : i32
      %dma_start3A_53 = tpu.memref_slice %arg14[%add3A_48, %dma_start3A_52] : memref<10240x128xf32, #tpu.memory_space<vmem_shared>> -> memref<128x128xf32, #tpu.memory_space<vmem_shared>>
      tpu.enqueue_dma source(%dma_start3A_53 : memref<128x128xf32, #tpu.memory_space<vmem_shared>>) target(%arg13 : memref<128x128xf32, #tpu.memory_space<vmem>>) target_semaphore(%run_scoped3A : memref<!tpu.dma_semaphore, #tpu.memory_space<semaphore_mem>>)
      %dma_wait3A = arith.constant 0 : i32
      %dma_wait3A_54 = tpu.memref_slice %arg14[%add3A_48, %dma_wait3A] : memref<10240x128xf32, #tpu.memory_space<vmem_shared>> -> memref<128x128xf32, #tpu.memory_space<vmem_shared>>
      %dma_wait3A_55 = arith.constant 0 : i32
      %dma_wait3A_56 = tpu.memref_slice %arg14[%add3A_48, %dma_wait3A_55] : memref<10240x128xf32, #tpu.memory_space<vmem_shared>> -> memref<128x128xf32, #tpu.memory_space<vmem_shared>>
      tpu.wait_dma2 semaphore(%run_scoped3A : memref<!tpu.dma_semaphore, #tpu.memory_space<semaphore_mem>>) src(%dma_wait3A_56 : memref<128x128xf32, #tpu.memory_space<vmem_shared>>) dst(%arg13 : memref<128x128xf32, #tpu.memory_space<vmem>>)
      tpu.yield
    }) : () -> ()
    %add3A_49 = arith.constant 512 : i32
    %add3A_50 = arith.addi %add3A_30, %add3A_49 : i32
    "tpu.region"() ({
      %run_scoped3A = tpu.sem_alloc : memref<!tpu.dma_semaphore, #tpu.memory_space<semaphore_mem>>
      %dma_start3A = arith.constant 0 : i32
      %dma_start3A_51 = tpu.memref_slice %arg7[%add3A_50, %dma_start3A] : memref<20480x128xf32, #tpu.memory_space<hbm>> -> memref<128x128xf32, #tpu.memory_space<hbm>>
      %dma_start3A_52 = arith.constant 0 : i32
      %dma_start3A_53 = tpu.memref_slice %arg7[%add3A_50, %dma_start3A_52] : memref<20480x128xf32, #tpu.memory_space<hbm>> -> memref<128x128xf32, #tpu.memory_space<hbm>>
      tpu.enqueue_dma source(%arg13 : memref<128x128xf32, #tpu.memory_space<vmem>>) target(%dma_start3A_53 : memref<128x128xf32, #tpu.memory_space<hbm>>) target_semaphore(%run_scoped3A : memref<!tpu.dma_semaphore, #tpu.memory_space<semaphore_mem>>)
      %dma_wait3A = arith.constant 0 : i32
      %dma_wait3A_54 = tpu.memref_slice %arg7[%add3A_50, %dma_wait3A] : memref<20480x128xf32, #tpu.memory_space<hbm>> -> memref<128x128xf32, #tpu.memory_space<hbm>>
      %dma_wait3A_55 = arith.constant 0 : i32
      %dma_wait3A_56 = tpu.memref_slice %arg7[%add3A_50, %dma_wait3A_55] : memref<20480x128xf32, #tpu.memory_space<hbm>> -> memref<128x128xf32, #tpu.memory_space<hbm>>
      tpu.wait_dma2 semaphore(%run_scoped3A : memref<!tpu.dma_semaphore, #tpu.memory_space<semaphore_mem>>) src(%arg13 : memref<128x128xf32, #tpu.memory_space<vmem>>) dst(%dma_wait3A_56 : memref<128x128xf32, #tpu.memory_space<hbm>>)
      tpu.yield
    }) : () -> ()
    return
  }
}

module attributes {stable_mosaic.version = 14 : i64} {
  func.func @_precompute_body(%arg0: i32, %arg1: memref<1000x128xf32, #tpu.memory_space<vmem>>, %arg2: memref<1x1x1000xi32, #tpu.memory_space<vmem>>, %arg3: memref<16x128xf32, #tpu.memory_space<vmem>>, %arg4: memref<400x128xf32, #tpu.memory_space<vmem>>, %arg5: memref<1x128xf32, #tpu.memory_space<vmem>>, %arg6: memref<1000x128xf32, #tpu.memory_space<vmem>>, %arg7: memref<1000x128xf32, #tpu.memory_space<vmem>>) attributes {dimension_semantics = [#tpu.dimension_semantics<arbitrary>], iteration_bounds = array<i64: 10>, scalar_prefetch = 0 : i64, scratch_operands = 0 : i64, tpu.core_type = #tpu.core_type<tc>, window_params = [{transform_indices = @transform_0, window_bounds = array<i64: 1000, 128>}, {transform_indices = @transform_1, window_bounds = array<i64: 1, 1, 1000>}, {pipeline_mode = #tpu.pipeline_mode<synchronous>, transform_indices = @transform_2, window_bounds = array<i64: 16, 128>}, {pipeline_mode = #tpu.pipeline_mode<synchronous>, transform_indices = @transform_3, window_bounds = array<i64: 400, 128>}, {pipeline_mode = #tpu.pipeline_mode<synchronous>, transform_indices = @transform_4, window_bounds = array<i64: 1, 128>}, {transform_indices = @transform_5, window_bounds = array<i64: 1000, 128>}, {transform_indices = @transform_6, window_bounds = array<i64: 1000, 128>}]} {
    %get3A = arith.constant 0 : index
    %get3A_0 = arith.constant 0 : index
    %get3A_1 = vector.load %arg1[%get3A, %get3A_0] : memref<1000x128xf32, #tpu.memory_space<vmem>>, vector<1000x128xf32>
    %get3A_2 = arith.constant 0 : index
    %get3A_3 = arith.constant 0 : index
    %get3A_4 = vector.load %arg3[%get3A_2, %get3A_3] : memref<16x128xf32, #tpu.memory_space<vmem>>, vector<16x128xf32>
    %get3A_5 = arith.constant 272 : index
    %get3A_6 = arith.constant 0 : index
    %get3A_7 = vector.load %arg4[%get3A_5, %get3A_6] : memref<400x128xf32, #tpu.memory_space<vmem>>, vector<128x128xf32>
    %dot_general3A = arith.constant dense<0.000000e+00> : vector<16x128xf32>
    %dot_general3A_8 = tpu.matmul %get3A_4, %get3A_7, %dot_general3A {dimension_numbers = #tpu.dot_dimension_numbers<[1], [0], [0], [1], [0, 0, 1, 1], [], []>, transpose_lhs_hint = false} : vector<16x128xf32>, vector<128x128xf32>, vector<16x128xf32> -> vector<16x128xf32>
    %get3A_9 = arith.constant 0 : index
    %get3A_10 = arith.constant 0 : index
    %get3A_11 = arith.constant 0 : index
    %get3A_12 = vector.load %arg2[%get3A_9, %get3A_10, %get3A_11] : memref<1x1x1000xi32, #tpu.memory_space<vmem>>, vector<1x1x1000xi32>
    %get3A_13 = vector.shape_cast %get3A_12 : vector<1x1x1000xi32> to vector<1000xi32>
    %broadcast_in_dim3A = vector.shape_cast %get3A_13 : vector<1000xi32> to vector<1000x1xi32>
    %iota3A = tpu.iota {dimensions = array<i32: 1>} : vector<1000x16xi32>
    %eq3A = vector.broadcast %broadcast_in_dim3A : vector<1000x1xi32> to vector<1000x16xi32>
    %eq3A_14 = arith.cmpi eq, %eq3A, %iota3A : vector<1000x16xi32>
    %convert_element_type3A = arith.extui %eq3A_14 : vector<1000x16xi1> to vector<1000x16xi32>
    %convert_element_type3A_15 = arith.sitofp %convert_element_type3A : vector<1000x16xi32> to vector<1000x16xf32>
    %get3A_16 = arith.constant 0 : index
    %get3A_17 = arith.constant 0 : index
    %get3A_18 = vector.load %arg4[%get3A_16, %get3A_17] : memref<400x128xf32, #tpu.memory_space<vmem>>, vector<128x128xf32>
    %dot_general3A_19 = arith.constant dense<0.000000e+00> : vector<1000x128xf32>
    %dot_general3A_20 = tpu.matmul %get3A_1, %get3A_18, %dot_general3A_19 {dimension_numbers = #tpu.dot_dimension_numbers<[1], [0], [0], [1], [0, 0, 1, 1], [], []>, transpose_lhs_hint = false} : vector<1000x128xf32>, vector<128x128xf32>, vector<1000x128xf32> -> vector<1000x128xf32>
    %dot_general3A_21 = arith.constant dense<0.000000e+00> : vector<1000x128xf32>
    %dot_general3A_22 = tpu.matmul %convert_element_type3A_15, %dot_general3A_8, %dot_general3A_21 {dimension_numbers = #tpu.dot_dimension_numbers<[1], [0], [0], [1], [0, 0, 1, 1], [], []>, transpose_lhs_hint = false} : vector<1000x16xf32>, vector<16x128xf32>, vector<1000x128xf32> -> vector<1000x128xf32>
    %add3A = arith.addf %dot_general3A_20, %dot_general3A_22 : vector<1000x128xf32>
    %get3A_23 = arith.constant 0 : index
    %get3A_24 = arith.constant 0 : index
    %get3A_25 = vector.load %arg5[%get3A_23, %get3A_24] : memref<1x128xf32, #tpu.memory_space<vmem>>, vector<1x128xf32>
    %add3A_26 = vector.broadcast %get3A_25 : vector<1x128xf32> to vector<1000x128xf32>
    %add3A_27 = arith.addf %add3A, %add3A_26 : vector<1000x128xf32>
    %swap3A = arith.constant 0 : index
    %swap3A_28 = arith.constant 0 : index
    %swap3A_29 = vector.load %arg6[%swap3A, %swap3A_28] : memref<1000x128xf32, #tpu.memory_space<vmem>>, vector<1000x128xf32>
    tpu.vector_store %arg6[%swap3A, %swap3A_28], %add3A_27 {strides = array<i32>} : memref<1000x128xf32, #tpu.memory_space<vmem>>, vector<1000x128xf32>,
    %get3A_30 = arith.constant 128 : index
    %get3A_31 = arith.constant 0 : index
    %get3A_32 = vector.load %arg4[%get3A_30, %get3A_31] : memref<400x128xf32, #tpu.memory_space<vmem>>, vector<128x128xf32>
    %dot_general3A_33 = arith.constant dense<0.000000e+00> : vector<1000x128xf32>
    %dot_general3A_34 = tpu.matmul %get3A_1, %get3A_32, %dot_general3A_33 {dimension_numbers = #tpu.dot_dimension_numbers<[1], [0], [0], [1], [0, 0, 1, 1], [], []>, transpose_lhs_hint = false} : vector<1000x128xf32>, vector<128x128xf32>, vector<1000x128xf32> -> vector<1000x128xf32>
    %swap3A_35 = arith.constant 0 : index
    %swap3A_36 = arith.constant 0 : index
    %swap3A_37 = vector.load %arg7[%swap3A_35, %swap3A_36] : memref<1000x128xf32, #tpu.memory_space<vmem>>, vector<1000x128xf32>
    tpu.vector_store %arg7[%swap3A_35, %swap3A_36], %dot_general3A_34 {strides = array<i32>} : memref<1000x128xf32, #tpu.memory_space<vmem>>, vector<1000x128xf32>,
    return
  }
  func.func @transform_0(%arg0: i32) -> (i32, i32) {
    %c0_i32 = arith.constant 0 : i32
    %c0_i32_0 = arith.constant 0 : i32
    return %arg0, %c0_i32 : i32, i32
  }
  func.func @transform_1(%arg0: i32) -> (i32, i32, i32) {
    %c0_i32 = arith.constant 0 : i32
    %c0_i32_0 = arith.constant 0 : i32
    %c0_i32_1 = arith.constant 0 : i32
    return %arg0, %c0_i32, %c0_i32_0 : i32, i32, i32
  }
  func.func @transform_2(%arg0: i32) -> (i32, i32) {
    %c0_i32 = arith.constant 0 : i32
    %c0_i32_0 = arith.constant 0 : i32
    %c0_i32_1 = arith.constant 0 : i32
    return %c0_i32, %c0_i32_0 : i32, i32
  }
  func.func @transform_3(%arg0: i32) -> (i32, i32) {
    %c0_i32 = arith.constant 0 : i32
    %c0_i32_0 = arith.constant 0 : i32
    %c0_i32_1 = arith.constant 0 : i32
    return %c0_i32, %c0_i32_0 : i32, i32
  }
  func.func @transform_4(%arg0: i32) -> (i32, i32) {
    %c0_i32 = arith.constant 0 : i32
    %c0_i32_0 = arith.constant 0 : i32
    %c0_i32_1 = arith.constant 0 : i32
    return %c0_i32, %c0_i32_0 : i32, i32
  }
  func.func @transform_5(%arg0: i32) -> (i32, i32) {
    %c0_i32 = arith.constant 0 : i32
    %c0_i32_0 = arith.constant 0 : i32
    return %arg0, %c0_i32 : i32, i32
  }
  func.func @transform_6(%arg0: i32) -> (i32, i32) {
    %c0_i32 = arith.constant 0 : i32
    %c0_i32_0 = arith.constant 0 : i32
    return %arg0, %c0_i32 : i32, i32
  }
}

module attributes {stable_mosaic.version = 14 : i64} {
  func.func @_edge_c_body(%arg0: i32, %arg1: memref<8000x16xf32, #tpu.memory_space<vmem>>, %arg2: memref<16x128xf32, #tpu.memory_space<vmem>>, %arg3: memref<8000x128xf32, #tpu.memory_space<vmem>>) attributes {dimension_semantics = [#tpu.dimension_semantics<arbitrary>], iteration_bounds = array<i64: 40>, scalar_prefetch = 0 : i64, scratch_operands = 0 : i64, tpu.core_type = #tpu.core_type<tc>, window_params = [{transform_indices = @transform_0, window_bounds = array<i64: 8000, 16>}, {pipeline_mode = #tpu.pipeline_mode<synchronous>, transform_indices = @transform_1, window_bounds = array<i64: 16, 128>}, {transform_indices = @transform_2, window_bounds = array<i64: 8000, 128>}]} {
    %get3A = arith.constant 0 : index
    %get3A_0 = arith.constant 0 : index
    %get3A_1 = vector.load %arg1[%get3A, %get3A_0] : memref<8000x16xf32, #tpu.memory_space<vmem>>, vector<8000x16xf32>
    %get3A_2 = arith.constant 0 : index
    %get3A_3 = arith.constant 0 : index
    %get3A_4 = vector.load %arg2[%get3A_2, %get3A_3] : memref<16x128xf32, #tpu.memory_space<vmem>>, vector<16x128xf32>
    %dot_general3A = arith.constant dense<0.000000e+00> : vector<8000x128xf32>
    %dot_general3A_5 = tpu.matmul %get3A_1, %get3A_4, %dot_general3A {dimension_numbers = #tpu.dot_dimension_numbers<[1], [0], [0], [1], [0, 0, 1, 1], [], []>, transpose_lhs_hint = false} : vector<8000x16xf32>, vector<16x128xf32>, vector<8000x128xf32> -> vector<8000x128xf32>
    %swap3A = arith.constant 0 : index
    %swap3A_6 = arith.constant 0 : index
    %swap3A_7 = vector.load %arg3[%swap3A, %swap3A_6] : memref<8000x128xf32, #tpu.memory_space<vmem>>, vector<8000x128xf32>
    tpu.vector_store %arg3[%swap3A, %swap3A_6], %dot_general3A_5 {strides = array<i32>} : memref<8000x128xf32, #tpu.memory_space<vmem>>, vector<8000x128xf32>,
    return
  }
  func.func @transform_0(%arg0: i32) -> (i32, i32) {
    %c0_i32 = arith.constant 0 : i32
    %c0_i32_0 = arith.constant 0 : i32
    return %arg0, %c0_i32 : i32, i32
  }
  func.func @transform_1(%arg0: i32) -> (i32, i32) {
    %c0_i32 = arith.constant 0 : i32
    %c0_i32_0 = arith.constant 0 : i32
    %c0_i32_1 = arith.constant 0 : i32
    return %c0_i32, %c0_i32_0 : i32, i32
  }
  func.func @transform_2(%arg0: i32) -> (i32, i32) {
    %c0_i32 = arith.constant 0 : i32
    %c0_i32_0 = arith.constant 0 : i32
    return %arg0, %c0_i32 : i32, i32
  }
}

module attributes {stable_mosaic.version = 14 : i64} {
  func.func @_node_out_body(%arg0: i32, %arg1: memref<1000x128xf32, #tpu.memory_space<vmem>>, %arg2: memref<1000x128xf32, #tpu.memory_space<vmem>>, %arg3: memref<1000x128xf32, #tpu.memory_space<vmem>>, %arg4: memref<1x1x1000xi32, #tpu.memory_space<vmem>>, %arg5: memref<16x128xf32, #tpu.memory_space<vmem>>, %arg6: memref<384x128xf32, #tpu.memory_space<vmem>>, %arg7: memref<1x128xf32, #tpu.memory_space<vmem>>, %arg8: memref<1000x128xf32, #tpu.memory_space<vmem>>) attributes {dimension_semantics = [#tpu.dimension_semantics<arbitrary>], iteration_bounds = array<i64: 10>, scalar_prefetch = 0 : i64, scratch_operands = 0 : i64, tpu.core_type = #tpu.core_type<tc>, window_params = [{transform_indices = @transform_0, window_bounds = array<i64: 1000, 128>}, {transform_indices = @transform_1, window_bounds = array<i64: 1000, 128>}, {transform_indices = @transform_2, window_bounds = array<i64: 1000, 128>}, {transform_indices = @transform_3, window_bounds = array<i64: 1, 1, 1000>}, {pipeline_mode = #tpu.pipeline_mode<synchronous>, transform_indices = @transform_4, window_bounds = array<i64: 16, 128>}, {pipeline_mode = #tpu.pipeline_mode<synchronous>, transform_indices = @transform_5, window_bounds = array<i64: 384, 128>}, {pipeline_mode = #tpu.pipeline_mode<synchronous>, transform_indices = @transform_6, window_bounds = array<i64: 1, 128>}, {transform_indices = @transform_7, window_bounds = array<i64: 1000, 128>}]} {
    %get3A = arith.constant 0 : index
    %get3A_0 = arith.constant 0 : index
    %get3A_1 = vector.load %arg1[%get3A, %get3A_0] : memref<1000x128xf32, #tpu.memory_space<vmem>>, vector<1000x128xf32>
    %get3A_2 = arith.constant 0 : index
    %get3A_3 = arith.constant 0 : index
    %get3A_4 = vector.load %arg2[%get3A_2, %get3A_3] : memref<1000x128xf32, #tpu.memory_space<vmem>>, vector<1000x128xf32>
    %get3A_5 = arith.constant 0 : index
    %get3A_6 = arith.constant 0 : index
    %get3A_7 = vector.load %arg3[%get3A_5, %get3A_6] : memref<1000x128xf32, #tpu.memory_space<vmem>>, vector<1000x128xf32>
    %add3A = arith.addf %get3A_4, %get3A_7 : vector<1000x128xf32>
    %get3A_8 = arith.constant 0 : index
    %get3A_9 = arith.constant 0 : index
    %get3A_10 = vector.load %arg5[%get3A_8, %get3A_9] : memref<16x128xf32, #tpu.memory_space<vmem>>, vector<16x128xf32>
    %get3A_11 = arith.constant 256 : index
    %get3A_12 = arith.constant 0 : index
    %get3A_13 = vector.load %arg6[%get3A_11, %get3A_12] : memref<384x128xf32, #tpu.memory_space<vmem>>, vector<128x128xf32>
    %dot_general3A = arith.constant dense<0.000000e+00> : vector<16x128xf32>
    %dot_general3A_14 = tpu.matmul %get3A_10, %get3A_13, %dot_general3A {dimension_numbers = #tpu.dot_dimension_numbers<[1], [0], [0], [1], [0, 0, 1, 1], [], []>, transpose_lhs_hint = false} : vector<16x128xf32>, vector<128x128xf32>, vector<16x128xf32> -> vector<16x128xf32>
    %get3A_15 = arith.constant 0 : index
    %get3A_16 = arith.constant 0 : index
    %get3A_17 = arith.constant 0 : index
    %get3A_18 = vector.load %arg4[%get3A_15, %get3A_16, %get3A_17] : memref<1x1x1000xi32, #tpu.memory_space<vmem>>, vector<1x1x1000xi32>
    %get3A_19 = vector.shape_cast %get3A_18 : vector<1x1x1000xi32> to vector<1000xi32>
    %broadcast_in_dim3A = vector.shape_cast %get3A_19 : vector<1000xi32> to vector<1000x1xi32>
    %iota3A = tpu.iota {dimensions = array<i32: 1>} : vector<1000x16xi32>
    %eq3A = vector.broadcast %broadcast_in_dim3A : vector<1000x1xi32> to vector<1000x16xi32>
    %eq3A_20 = arith.cmpi eq, %eq3A, %iota3A : vector<1000x16xi32>
    %convert_element_type3A = arith.extui %eq3A_20 : vector<1000x16xi1> to vector<1000x16xi32>
    %convert_element_type3A_21 = arith.sitofp %convert_element_type3A : vector<1000x16xi32> to vector<1000x16xf32>
    %get3A_22 = arith.constant 0 : index
    %get3A_23 = arith.constant 0 : index
    %get3A_24 = vector.load %arg6[%get3A_22, %get3A_23] : memref<384x128xf32, #tpu.memory_space<vmem>>, vector<128x128xf32>
    %dot_general3A_25 = arith.constant dense<0.000000e+00> : vector<1000x128xf32>
    %dot_general3A_26 = tpu.matmul %get3A_1, %get3A_24, %dot_general3A_25 {dimension_numbers = #tpu.dot_dimension_numbers<[1], [0], [0], [1], [0, 0, 1, 1], [], []>, transpose_lhs_hint = false} : vector<1000x128xf32>, vector<128x128xf32>, vector<1000x128xf32> -> vector<1000x128xf32>
    %get3A_27 = arith.constant 128 : index
    %get3A_28 = arith.constant 0 : index
    %get3A_29 = vector.load %arg6[%get3A_27, %get3A_28] : memref<384x128xf32, #tpu.memory_space<vmem>>, vector<128x128xf32>
    %dot_general3A_30 = arith.constant dense<0.000000e+00> : vector<1000x128xf32>
    %dot_general3A_31 = tpu.matmul %add3A, %get3A_29, %dot_general3A_30 {dimension_numbers = #tpu.dot_dimension_numbers<[1], [0], [0], [1], [0, 0, 1, 1], [], []>, transpose_lhs_hint = false} : vector<1000x128xf32>, vector<128x128xf32>, vector<1000x128xf32> -> vector<1000x128xf32>
    %add3A_32 = arith.addf %dot_general3A_26, %dot_general3A_31 : vector<1000x128xf32>
    %dot_general3A_33 = arith.constant dense<0.000000e+00> : vector<1000x128xf32>
    %dot_general3A_34 = tpu.matmul %convert_element_type3A_21, %dot_general3A_14, %dot_general3A_33 {dimension_numbers = #tpu.dot_dimension_numbers<[1], [0], [0], [1], [0, 0, 1, 1], [], []>, transpose_lhs_hint = false} : vector<1000x16xf32>, vector<16x128xf32>, vector<1000x128xf32> -> vector<1000x128xf32>
    %add3A_35 = arith.addf %add3A_32, %dot_general3A_34 : vector<1000x128xf32>
    %get3A_36 = arith.constant 0 : index
    %get3A_37 = arith.constant 0 : index
    %get3A_38 = vector.load %arg7[%get3A_36, %get3A_37] : memref<1x128xf32, #tpu.memory_space<vmem>>, vector<1x128xf32>
    %add3A_39 = vector.broadcast %get3A_38 : vector<1x128xf32> to vector<1000x128xf32>
    %add3A_40 = arith.addf %add3A_35, %add3A_39 : vector<1000x128xf32>
    %max3A = arith.constant 0.000000e+00 : f32
    %max3A_41 = vector.broadcast %max3A : f32 to vector<1000x128xf32>
    %max3A_42 = arith.maximumf %add3A_40, %max3A_41 : vector<1000x128xf32>
    %swap3A = arith.constant 0 : index
    %swap3A_43 = arith.constant 0 : index
    %swap3A_44 = vector.load %arg8[%swap3A, %swap3A_43] : memref<1000x128xf32, #tpu.memory_space<vmem>>, vector<1000x128xf32>
    tpu.vector_store %arg8[%swap3A, %swap3A_43], %max3A_42 {strides = array<i32>} : memref<1000x128xf32, #tpu.memory_space<vmem>>, vector<1000x128xf32>,
    return
  }
  func.func @transform_0(%arg0: i32) -> (i32, i32) {
    %c0_i32 = arith.constant 0 : i32
    %c0_i32_0 = arith.constant 0 : i32
    return %arg0, %c0_i32 : i32, i32
  }
  func.func @transform_1(%arg0: i32) -> (i32, i32) {
    %c0_i32 = arith.constant 0 : i32
    %c0_i32_0 = arith.constant 0 : i32
    return %arg0, %c0_i32 : i32, i32
  }
  func.func @transform_2(%arg0: i32) -> (i32, i32) {
    %c0_i32 = arith.constant 0 : i32
    %c0_i32_0 = arith.constant 0 : i32
    return %arg0, %c0_i32 : i32, i32
  }
  func.func @transform_3(%arg0: i32) -> (i32, i32, i32) {
    %c0_i32 = arith.constant 0 : i32
    %c0_i32_0 = arith.constant 0 : i32
    %c0_i32_1 = arith.constant 0 : i32
    return %arg0, %c0_i32, %c0_i32_0 : i32, i32, i32
  }
  func.func @transform_4(%arg0: i32) -> (i32, i32) {
    %c0_i32 = arith.constant 0 : i32
    %c0_i32_0 = arith.constant 0 : i32
    %c0_i32_1 = arith.constant 0 : i32
    return %c0_i32, %c0_i32_0 : i32, i32
  }
  func.func @transform_5(%arg0: i32) -> (i32, i32) {
    %c0_i32 = arith.constant 0 : i32
    %c0_i32_0 = arith.constant 0 : i32
    %c0_i32_1 = arith.constant 0 : i32
    return %c0_i32, %c0_i32_0 : i32, i32
  }
  func.func @transform_6(%arg0: i32) -> (i32, i32) {
    %c0_i32 = arith.constant 0 : i32
    %c0_i32_0 = arith.constant 0 : i32
    %c0_i32_1 = arith.constant 0 : i32
    return %c0_i32, %c0_i32_0 : i32, i32
  }
  func.func @transform_7(%arg0: i32) -> (i32, i32) {
    %c0_i32 = arith.constant 0 : i32
    %c0_i32_0 = arith.constant 0 : i32
    return %arg0, %c0_i32 : i32, i32
  }
}

</mosaic_0001>

<sc_bundles>
// kernel: kernel.6.cloned.1.call-start
scs
__scs_entry_jumppad:
0x0: {  	(pc) =	sbr.rel $0x88, $3  }
0x1: {  	(tag) =	ssettag $0x0;
	lr =	simm.s32 $0x1  }
0x2: {  	[smem:$0x3F98] =	sst lr;
	_ =	strace $0xD0000000  }
0x3: {  	_ = 	snop  }
0x4: {  	_ = 	snop  }
0x5: {  	_ = 	snop  }
0x6: {  	_ = 	snop  }
0x7: {  	_ = 	snop  }
__scs_overlays_trampoline_lowered:
0x8: {  	[smem:$0x3FA7] =	sst s0  }
0x9: {  	[smem:$0x3FA8] =	sst s1  }
0xa: {  	[smem:$0x3FA9] =	sst s2  }
0xb: {  	[smem:$0x3FAA] =	sst s3  }
0xc: {  	[smem:$0x3FAB] =	sst s4  }
0xd: {  	[smem:$0x3FAC] =	sst s5  }
0xe: {  	[smem:$0x3FAD] =	sst s6  }
0xf: {  	[smem:$0x3FAE] =	sst s7  }
0x10: {  	[smem:$0x3FAF] =	sst s8  }
0x11: {  	[smem:$0x3FB0] =	sst s9;
	s0 =	simm.s32 @!p0 $0x0  }
0x12: {  	s1 =	sld [smem:$0x3F96];
	s0 =	simm.s32 @p0 $0x1  }
0x13: {  	[smem:$0x3FB1] =	sst s0;
	s0 =	simm.s32 @!p1 $0x0  }
0x14: {  	s2 =	sld [smem:$0x3F95];
	s0 =	simm.s32 @p1 $0x1  }
0x15: {  	[smem:$0x3FB2] =	sst s0;
	s0 =	simm.s32 @!p2 $0x0  }
0x16: {  	s3 =	sld [smem:$0x3FDB];
	s0 =	simm.s32 @p2 $0x1  }
0x17: {  	s4 =	simm.s32 $0x1BF5;
	[smem:$0x3FB4] =	sst s0  }
0x18: {  	s0 =	sld [smem:$0x3F97];
	_ =	swait.ge [sflag:s4], $0x0  }
0x19: {  	s7 =	sld [smem:$0x3F98]  }
0x1a: {  	s8 =	sadd.s32 $0xFFFFE003, lr  }
0x1b: {  	s9 =	sadd.s32 $0xFFFFFEF7, lr;
	s5 =	simm.s32 $0xFFFFFFFF;
	p2 =	slt.u32 s8, $0xFFFFF086  }
0x1c: {  	p1 =	slt.u32 s9, $0xF7A;
	s5 =	simm.s32 @!p2 $0x0  }
0x1d: {  	s5 =	simm.s32 @p1 $0x1;
	p0 =	seq.s32 s7, s2  }
0x1e: {  	s7 =	smul.u32 @!p0 $0xF7A, s2;
	p2 =	seq.s32 @!p0 s5, $0x0  }
0x1f: {  	s9 =	smul.u32 $0xF7A, s1;
	s8 =	simm.s32 @!p0 $0x1BF5;
	p2 =	por !p2, p0  }
0x20: {  	[sflag:s8] =	ssyncset.s32 @!p0 $0xFFFFF086;
	s6 =	sadd.s32 @!p0 s3, s7;
	s7 =	simm.s32 @!p0 $0x108  }
0x21: {  	s3 =	sadd.s32 s3, s9;
	s6 =	sadd.s32 @!p0 $0x88, s6;
	s7 =	simm.s32 @p2 $0x1082  }
0x22: {  	[simem:s7], [sflag:s8] =	dma.local @!p0 [hbm:s6], $0xF7A  }
0x23: {  	s9 =	sor.u32 $0xD0000000, s2;
	s6 =	simm.s32 $0x108;
	_ =	swait.ge @!p0 [sflag:s8], $0x0  }
0x24: {  	s3 =	sadd.s32 $0x88, s3;
	s6 =	simm.s32 @!p1 $0x1082;
	[sflag:s4] =	ssyncset.s32 $0xFFFFF086  }
0x25: {  	[simem:s6], [sflag:s4] =	dma.local [hbm:s3], $0xF7A  }
0x26: {  	[smem:$0x3F98] =	sst s1;
	(tag) =	ssettag s2;
	_ =	strace s9  }
0x27: {  	s1 =	sld [smem:$0x3FA8]  }
0x28: {  	s2 =	sld [smem:$0x3FA9]  }
0x29: {  	s4 =	sld [smem:$0x3FAB]  }
0x2a: {  	p0 =	seq.s32 s5, $0x0;
	s5 =	sld [smem:$0x3FAC]  }
0x2b: {  	s6 =	sld [smem:$0x3FAD]  }
0x2c: {  	s7 =	sld [smem:$0x3FAE]  }
0x2d: {  	s3 =	simm.s32 $0x108;
	s8 =	sld [smem:$0x3FAF]  }
0x2e: {  	s3 =	simm.s32 @!p0 $0x1082;
	s9 =	sld [smem:$0x3FB0]  }
0x2f: {  	lr =	sadd.s32 s0, s3;
	s0 =	sld [smem:$0x3FA7]  }
0x30: {  	s3 =	sld [smem:$0x3FAA]  }
0x31: {  	[smem:$0x3FB3] =	sst s10  }
0x32: {  	s10 =	sld [smem:$0x3FB1];
	_ =	sdelay $0x3  }
0x33: {  	p0 =	seq.s32 s10, $0x1;
	s10 =	sld [smem:$0x3FB3];
	_ =	sdelay $0x3  }
0x34: {  	[smem:$0x3FB3] =	sst s10  }
0x35: {  	s10 =	sld [smem:$0x3FB2];
	_ =	sdelay $0x3  }
0x36: {  	p1 =	seq.s32 s10, $0x1;
	s10 =	sld [smem:$0x3FB3];
	_ =	sdelay $0x3  }
0x37: {  	[smem:$0x3FB3] =	sst s10  }
0x38: {  	s10 =	sld [smem:$0x3FB4]  }
0x39: {  	_ = 	snop;
	(pc) =	sbr.ind lr, $3  }
0x3a: {  	_ = 	snop  }
0x3b: {  	_ = 	snop  }
0x3c: {  	p2 =	seq.s32 s10, $0x1;
	s10 =	sld [smem:$0x3FB3]  }
0x3d: {  	_ =	shalt  }
0x3e: {  	_ =	shalt  }
0x3f: {  	_ =	shalt  }
0x40: {  	_ =	shalt  }
0x41: {  	_ =	shalt  }
0x42: {  	_ =	shalt  }
0x43: {  	_ =	shalt  }
0x44: {  	_ =	shalt  }
0x45: {  	_ =	shalt  }
0x46: {  	_ =	shalt  }
0x47: {  	_ =	shalt  }
0x48: {  	_ =	shalt  }
0x49: {  	_ =	shalt  }
0x4a: {  	_ =	shalt  }
0x4b: {  	_ =	shalt  }
0x4c: {  	_ =	shalt  }
0x4d: {  	_ =	shalt  }
0x4e: {  	_ =	shalt  }
0x4f: {  	_ =	shalt  }
0x50: {  	_ =	shalt  }
0x51: {  	_ =	shalt  }
0x52: {  	_ =	shalt  }
0x53: {  	_ =	shalt  }
0x54: {  	_ =	shalt  }
0x55: {  	_ =	shalt  }
0x56: {  	_ =	shalt  }
0x57: {  	_ =	shalt  }
0x58: {  	_ =	shalt  }
0x59: {  	_ =	shalt  }
0x5a: {  	_ =	shalt  }
0x5b: {  	_ =	shalt  }
0x5c: {  	_ =	shalt  }
0x5d: {  	_ =	shalt  }
0x5e: {  	_ =	shalt  }
0x5f: {  	_ =	shalt  }
0x60: {  	_ =	shalt  }
0x61: {  	_ =	shalt  }
0x62: {  	_ =	shalt  }
0x63: {  	_ =	shalt  }
0x64: {  	_ =	shalt  }
0x65: {  	_ =	shalt  }
0x66: {  	_ =	shalt  }
0x67: {  	_ =	shalt  }
0x68: {  	_ =	shalt  }
0x69: {  	_ =	shalt  }
0x6a: {  	_ =	shalt  }
0x6b: {  	_ =	shalt  }
0x6c: {  	_ =	shalt  }
0x6d: {  	_ =	shalt  }
0x6e: {  	_ =	shalt  }
0x6f: {  	_ =	shalt  }
0x70: {  	_ =	shalt  }
0x71: {  	_ =	shalt  }
0x72: {  	_ =	shalt  }
0x73: {  	_ =	shalt  }
0x74: {  	_ =	shalt  }
0x75: {  	_ =	shalt  }
0x76: {  	_ =	shalt  }
0x77: {  	_ =	shalt  }
0x78: {  	_ =	shalt  }
0x79: {  	_ =	shalt  }
0x7a: {  	_ =	shalt  }
0x7b: {  	_ =	shalt  }
0x7c: {  	_ =	shalt  }
0x7d: {  	_ =	shalt  }
0x7e: {  	_ =	shalt  }
0x7f: {  	_ =	shalt  }
0x80: {  	_ =	shalt  }
0x81: {  	_ =	shalt  }
0x82: {  	_ =	shalt  }
0x83: {  	_ =	shalt  }
0x84: {  	_ =	shalt  }
0x85: {  	_ =	shalt  }
0x86: {  	_ =	shalt  }
0x87: {  	_ =	shalt  }
.Lfunc_end0:
.L_simem_size_0:
called_computation_lowered:
.L_overlay_start_0:
0x88: {  	s2 =	sld [smem:$0x3FD9]  }
0x89: {  	s3 =	sld [smem:$0x3FFE];
	_ =	sdelay $0x1  }
0x8a: {  	s1 =	srdreg.scid  }
0x8b: {  	s0 =	sand.u32 $0x1, s1  }
0x8c: {  	s17 =	sshll.u32 s0, $0xA;
	s2 =	sadd.s32 s3, s2  }
0x8d: {  	s2 =	sadd.s32 s2, s17  }
0x8e: {  	[smem:$0x3FBF] =	sst s2  }
0x8f: {  	_ = 	snop  }
0x90: {  	s2 =	sld [smem:$0x3FD0];
	(tm) =	ssettm $0x1  }
0x91: {  	s18 =	sld [smem:$0x3FFB];
	_ =	sdelay $0x3  }
0x92: {  	_ =	strace s18  }
0x93: {  	s3 =	sld [smem:$0x3FFC];
	_ =	sdelay $0x3  }
0x94: {  	_ =	strace s3  }
0x95: {  	s3 =	sld [smem:$0x3FFD];
	_ =	sdelay $0x3  }
0x96: {  	_ =	strace s3  }
0x97: {  	_ =	strace $0x8FFFFFFF  }
0x98: {  	s19 =	sld [smem:$0x3FDB];
	_ =	sdelay $0x1  }
0x99: {  	s4 =	simm.s32 $_scs_section_size  }
0x9a: {  	s5 =	simm.s32 $_size__tile_overlayer_lowered;
	s6 =	simm.s32 $_tile_overlayer_lowered  }
0x9b: {  	s22 =	simm.s32 $0x1BFF;
	s21 =	sshll.u32 s6, $0x1;
	s3 =	sadd.s32 s4, s19  }
0x9c: {  	s7 =	simm.s32 $0x0;
	s20 =	sshll.u32 s5, $0x1;
	s5 =	sadd.s32 s21, s3  }
0x9d: {  	[timem:s7], [sflag:s22] =	dma.local [hbm:s5], s20  }
0x9e: {  	_ =	swait.ge [sflag:s22], s20  }
0x9f: {  	s4 =	ssub.s32 $0x0, s20;
	[sflag:s22] =	ssyncset.done $0x0  }
0xa0: {  	[sflag:s22] =	ssyncadd.s32 s4;
	_ =	sdelay $0x1  }
0xa1: {  	s23 =	simm.s32 $0x1B8B  }
0xa2: {  	_ =	swait.ge [sflag:s23], $0x1  }
0xa3: {  	[sflag:s23] =	ssyncset.done $0x0  }
0xa4: {  	s25 =	simm.s32 $0x1B8E;
	s24 =	sld [smem:$0x3FFE];
	[sflag:s23] =	ssyncadd.s32 $0xFFFFFFFF  }
0xa5: {  	s26 =	simm.s32 $execute0_lowered;
	[smem:$0x3FD2] =	sst s25  }
0xa6: {  	s5 =	sshll.u32 s26, $0x1;
	_ =	strace $0x80000046;
	[dreg:$0x1] =	wrdreg $0xFFFFFFFF  }
0xa7: {  	s28 =	simm.s32 $_size_execute0_lowered;
	s3 =	sadd.s32 s3, s5;
	[dreg:$0x0] =	wrdreg $0x0  }
0xa8: {  	s5 =	sshll.u32 s28, $0x1;
	[dreg:$0x2] =	wrdreg s3  }
0xa9: {  	[dreg:$0x3] =	wrdreg s5  }
0xaa: {  	[dreg:$0x4] =	wrdreg $0xC0  }
0xab: {  	_ =	task [dreg:s7], $0x5FFFF  }
0xac: {  	[dreg:$0x1] =	wrdreg $0xFFFFFFFF  }
0xad: {  	[dreg:$0x0] =	wrdreg $0x60  }
0xae: {  	[dreg:$0x2] =	wrdreg s2  }
0xaf: {  	[dreg:$0x3] =	wrdreg s24  }
0xb0: {  	[dreg:$0x4] =	wrdreg $0xB9000  }
0xb1: {  	[dreg:$0x5] =	wrdreg $0x9  }
0xb2: {  	_ =	task.clear_ibuf [dreg:s7], $0x6FFFF;
	_ =	strace $0x90000046  }
0xb3: {  	s29 =	simm.s32 $0x9;
	_ =	strace $0x80000048  }
0xb4: {  	_ =	swait.ge [sflag:s29], $0x1  }
0xb5: {  	[sflag:s29] =	ssyncadd.s32 $0xFFFFFFFF  }
0xb6: {  	_ =	strace $0x90000048  }
0xb7: {  	_ =	sfence  }
0xb8: {  	s30 =	sld [smem:$0x0];
	_ =	sdelay $0x2  }
0xb9: {  	s31 =	sshll.u32 s1, $0xD;
	s1 =	sshrl.u32 s1, $0x2  }
0xba: {  	s3 =	sand.u32 $0x4000, s31;
	s1 =	sadd.s32 s1, s30  }
0xbb: {  	s0 =	sor.u32 s3, s0;
	s1 =	sshll.u32 s1, $0x11  }
0xbc: {  	s0 =	sor.u32 s1, s0  }
0xbd: {  	s0 =	sadd.s32 $0x8F2B, s0  }
0xbe: {  	[sflag:s0] =	ssyncadd.remote.s32 $0x1  }
0xbf: {  	_ =	sfence.sel $0xFFFF  }
0xc0: {  	[dreg:$0x0] =	wrdreg $0xFFFFFFFF;
	(pc) =	sbr.abs _section_cstart, $3  }
0xc1: {  	[dreg:$0x1] =	wrdreg $0xFFFFFFFF  }
0xc2: {  	_ =	task.clear_ibuf [dreg:s7], $0x2FFFF;
	_ =	strace $0x9FFFFFFF  }
0xc3: {  	(tm) =	ssettm $0x7FFFFFFF  }
tec
execute0_lowered:
.L_overlay_start_1:
0x0: {  	(tag) =	ssettag $0x1  }
0x1: {  	s0 =	rddreg [dreg:$0x0]  }
0x2: {  	s1 =	srdreg.scid;
	s11 =	stileid.u32  }
0x3: {  	s2 =	rddreg [dreg:$0x1];
	s8 =	smul.u32 $0x2710, s11  }
0x4: {  	s3 =	rddreg [dreg:$0x2];
	s4 =	simm.s32 $0x0;
	s9 =	smul.u32 $0x280, s11  }
0x5: {  	s28 =	simm.s32 $0x1;
	s1 =	sand.u32 $0x1, s1;
	s18 =	smul.u32 $0x50000, s11  }
0x6: {  	s29 =	simm.s32 $0x2;
	s30 =	simm.s32 $0x0;
	s6 =	smul.u32 $0x271000, s1  }
0x7: {  	[smem:$0x7FF] =	sst s4;
	s5 =	sadd.s32 $0x2600, s2;
	s7 =	smul.u32 $0x27100, s1  }
0x8: {  	_ =	strace $0x80000047;
	s10 =	smul.u32 $0x2800, s1;
	s1 =	ssub.s32 $0x2, s1  }
0x9: {  	s23 =	sshrl.u32 s18, $0x2;
	s17 =	sshrl.u32 s1, $0x1;
	s18 =	smul.u32 $0x27100, s11  }
0xa: {  	s7 =	sadd.s32 s8, s7;
	s16 =	sadd.s32 s6, s2;
	s21 =	sadd.s32 s9, s10  }
0xb: {  	s6 =	sadd.s32 s23, s3;
	s1 =	ssub.s32 s1, s17;
	s23 =	simm.s32 $0x50  }
0xc: {  	s20 =	sshrl.u32 s7, $0x3;
	s22 =	sshll.u32 s21, $0x4;
	s7 =	sadd.s32 $0x4000, s6  }
0xd: {  	s8 =	sadd.s32 $0x8000, s6;
	s9 =	sadd.s32 $0xC000, s6;
	s10 =	sadd.s32 $0x10000, s6  }
0xe: {  	s31 =	sadd.s32 s18, s16;
	s18 =	smax.u32 s1, $0x1;
	s21 =	simm.s32 $0x3  }
0xf: {  	s19 =	sadd.s32 s20, s2;
	s2 =	sadd.s32 s22, s2;
	s16 =	sadd.s32 $0x4F8200, s31  }
0x10: {  	s20 =	simm.s32 $0x7900;
	s22 =	simm.s32 $0x80;
	s24 =	sadd.s32 $0x29800, s2  }
0x11: {  	s25 =	sadd.s32 $0x2A000, s2;
	s26 =	sadd.s32 $0x2A800, s2;
	[dreg:$0x4] =	wrdreg s24  }
0x12: {  	s14 =	sadd.s32 $0x2B000, s2;
	s15 =	sadd.s32 $0x2B800, s2;
	[dreg:$0x5] =	wrdreg s25  }
0x13: {  	s17 =	sadd.s32 $0x4E4600, s19;
	s19 =	sadd.s32 $0x4EE400, s19;
	[dreg:$0x6] =	wrdreg s26  }
0x14: {  	v0 =	vimm.f32 $0.0e+00;
	s24 =	simm.s32 $0x100;
	s25 =	simm.s32 $0x2900;
	s26 =	simm.s32 $0x5100  }
.LBB2_1:
0x15: {  	s1 =	simm.s32 $0x0;
	s31 =	simm.s32 $0x200  }
.LBB2_2:
0x16: {  	p0 =	sne.s32 s31, $0xFE00;
	[tilespmem:s1+$0x7970] =	vst v0  }
0x17: {  	[tilespmem:s1+$0x7900] =	vst v0  }
0x18: {  	[tilespmem:s1+$0x7910] =	vst v0  }
.Ltmp0:
0x19: {  	[tilespmem:s1+$0x7920] =	vst v0;
	(pc) =	sbr.rel @p0 .LBB2_2-.Ltmp0, $4  }
0x1a: {  	[tilespmem:s1+$0x7930] =	vst v0  }
0x1b: {  	[tilespmem:s1+$0x7940] =	vst v0  }
0x1c: {  	[tilespmem:s1+$0x7950] =	vst v0  }
0x1d: {  	[tilespmem:s1+$0x7960] =	vst v0;
	s1 =	sshra.s32 s31, $0x2;
	s31 =	sadd.s32 $0x200, s31  }
0x1e: {  	[tilespmem:s1+$0x7970] =	vst v0  }
0x1f: {  	[tilespmem:s1+$0x7900] =	vst v0  }
0x20: {  	[tilespmem:s1+$0x7910] =	vst v0  }
0x21: {  	[tilespmem:s1+$0x7920] =	vst v0  }
0x22: {  	[tilespmem:s1+$0x7930] =	vst v0  }
0x23: {  	[tilespmem:s1+$0x7940] =	vst v0  }
0x24: {  	[tilespmem:s1+$0x7950] =	vst v0  }
0x25: {  	[tilespmem:s1+$0x7960] =	vst v0  }
0x26: {  	[spmem:s6] =	stream.linear.scatter [tilespmem:s20], [sflag:$0x3], $0x4000, $0x38;
	[tilespmem:$0x1F900] =	vst v63  }
0x27: {  	_ =	swait.ge [sflag:s21], $0x4000  }
0x28: {  	[sflag:s21] =	ssyncset.done $0x0  }
0x29: {  	[sflag:s21] =	ssyncadd.s32 $0xFFFFC000  }
0x2a: {  	[spmem:s7] =	stream.linear.scatter [tilespmem:s20], [sflag:$0x3], $0x4000, $0x38;
	[tilespmem:$0x1F900] =	vst v63  }
0x2b: {  	_ =	swait.ge [sflag:s21], $0x4000  }
0x2c: {  	[sflag:s21] =	ssyncset.done $0x0  }
0x2d: {  	[sflag:s21] =	ssyncadd.s32 $0xFFFFC000  }
0x2e: {  	[spmem:s8] =	stream.linear.scatter [tilespmem:s20], [sflag:$0x3], $0x4000, $0x38;
	[tilespmem:$0x1F900] =	vst v63  }
0x2f: {  	_ =	swait.ge [sflag:s21], $0x4000  }
0x30: {  	[sflag:s21] =	ssyncset.done $0x0  }
0x31: {  	[sflag:s21] =	ssyncadd.s32 $0xFFFFC000  }
0x32: {  	[spmem:s9] =	stream.linear.scatter [tilespmem:s20], [sflag:$0x3], $0x4000, $0x38;
	[tilespmem:$0x1F900] =	vst v63  }
0x33: {  	_ =	swait.ge [sflag:s21], $0x4000  }
0x34: {  	[sflag:s21] =	ssyncset.done $0x0  }
0x35: {  	[sflag:s21] =	ssyncadd.s32 $0xFFFFC000  }
0x36: {  	[spmem:s10] =	stream.linear.scatter [tilespmem:s20], [sflag:$0x3], $0x4000, $0x38;
	[tilespmem:$0x1F900] =	vst v63  }
0x37: {  	_ =	swait.ge [sflag:s21], $0x4000  }
0x38: {  	[sflag:s21] =	ssyncset.done $0x0  }
0x39: {  	[sflag:s21] =	ssyncadd.s32 $0xFFFFC000  }
0x3a: {  	s12 =	sadd.s32 $0x0, s19;
	[bflag:$0x0] =	sbarrier.arrive $0xFFFF  }
0x3b: {  	[tilespmem:s4], [sflag:$0x3] =	stream.linear.gather [hbm4b:s12+s4], $0x50, $0x38;
	[tilespmem:$0x1F900] =	vst v63  }
0x3c: {  	_ =	swait.ge [sflag:s21], $0x50  }
0x3d: {  	[sflag:s21] =	ssyncset.done $0x0  }
0x3e: {  	s13 =	sadd.s32 $0x0, s17;
	[sflag:s21] =	ssyncadd.s32 $0xFFFFFFB0  }
0x3f: {  	[tilespmem:s22], [sflag:$0x3] =	stream.linear.gather [hbm4b:s13+s4], $0x50, $0x38;
	[tilespmem:$0x1F900] =	vst v63  }
0x40: {  	_ =	swait.ge [sflag:s21], $0x50  }
0x41: {  	[sflag:s21] =	ssyncset.done $0x0  }
0x42: {  	[sflag:s21] =	ssyncadd.s32 $0xFFFFFFB0  }
0x43: {  	[tilespmem:s24], [sflag:$0x1] =	stream.indirect.gather [hbm4b:s0+s23], $0x80, s4, s23, $0xb8;
	[tilespmem:$0x1F900] =	vst v63  }
0x44: {  	_ = 	snop  }
0x45: {  	[tilespmem:s25], [sflag:$0x2] =	stream.indirect.gather [hbm4b:s5+s23], $0x80, s22, s23, $0xb8;
	[tilespmem:$0x1F900] =	vst v63  }
0x46: {  	_ = 	snop  }
0x47: {  	[tilespmem:s26], [sflag:$0x3] =	stream.linear.gather [hbm4b:s16+s4], $0x2800, $0x38;
	[tilespmem:$0x1F900] =	vst v63  }
0x48: {  	_ =	swait.ge [sflag:s21], $0x2800  }
0x49: {  	[sflag:s21] =	ssyncset.done $0x0  }
0x4a: {  	[sflag:s21] =	ssyncadd.s32 $0xFFFFD800  }
0x4b: {  	_ =	swait.ge [sflag:s28], $0x2800  }
0x4c: {  	[sflag:s28] =	ssyncset.done $0x0  }
0x4d: {  	[sflag:s28] =	ssyncadd.s32 $0xFFFFD800  }
0x4e: {  	_ =	swait.ge [sflag:s29], $0x2800  }
0x4f: {  	[sflag:s29] =	ssyncset.done $0x0  }
0x50: {  	[sflag:s29] =	ssyncadd.s32 $0xFFFFD800  }
0x51: {  	[spmem:s3] =	stream.indirect.scatter.add.f32 [tilespmem:s26], [sflag:$0x3], $0x80, s22, s23, $0xb8;
	[tilespmem:$0x1F900] =	vst v63  }
0x52: {  	s1 =	simm.s32 $0xA;
	_ =	swait.ge [sflag:s21], $0x2800  }
0x53: {  	s2 =	simm.s32 $0x14;
	s31 =	sadd.s32 $0x500, s16;
	[sflag:s21] =	ssyncset.done $0x0  }
.LBB2_4:
0x54: {  	s11 =	sadd.s32 s1, s19  }
0x55: {  	[sflag:s21] =	ssyncadd.s32 $0xFFFFD800;
	s12 =	smov.u32 s2;
	s13 =	sadd.s32 $0xA, s2  }
0x56: {  	[tilespmem:s4], [sflag:$0x3] =	stream.linear.gather [hbm4b:s11+s4], $0x50, $0x38;
	[tilespmem:$0x1F900] =	vst v63  }
0x57: {  	p0 =	sne.s32 s2, $0x4D8;
	_ =	swait.ge [sflag:s21], $0x50  }
0x58: {  	[sflag:s21] =	ssyncset.done $0x0  }
0x59: {  	s2 =	sadd.s32 s1, s17;
	s1 =	smov.u32 s12;
	[sflag:s21] =	ssyncadd.s32 $0xFFFFFFB0  }
0x5a: {  	[tilespmem:s22], [sflag:$0x3] =	stream.linear.gather [hbm4b:s2+s4], $0x50, $0x38;
	[tilespmem:$0x1F900] =	vst v63  }
0x5b: {  	_ =	swait.ge [sflag:s21], $0x50  }
0x5c: {  	[sflag:s21] =	ssyncset.done $0x0  }
0x5d: {  	[sflag:s21] =	ssyncadd.s32 $0xFFFFFFB0  }
0x5e: {  	[tilespmem:s24], [sflag:$0x1] =	stream.indirect.gather [hbm4b:s0+s23], $0x80, s4, s23, $0xb8;
	[tilespmem:$0x1F900] =	vst v63  }
0x5f: {  	_ = 	snop  }
0x60: {  	[tilespmem:s25], [sflag:$0x2] =	stream.indirect.gather [hbm4b:s5+s23], $0x80, s22, s23, $0xb8;
	[tilespmem:$0x1F900] =	vst v63  }
0x61: {  	_ = 	snop  }
0x62: {  	[tilespmem:s26], [sflag:$0x3] =	stream.linear.gather [hbm4b:s31+s4], $0x2800, $0x38;
	[tilespmem:$0x1F900] =	vst v63  }
0x63: {  	_ =	swait.ge [sflag:s21], $0x2800  }
0x64: {  	[sflag:s21] =	ssyncset.done $0x0  }
0x65: {  	[sflag:s21] =	ssyncadd.s32 $0xFFFFD800  }
0x66: {  	_ =	swait.ge [sflag:s28], $0x2800  }
0x67: {  	[sflag:s28] =	ssyncset.done $0x0  }
0x68: {  	[sflag:s28] =	ssyncadd.s32 $0xFFFFD800  }
0x69: {  	_ =	swait.ge [sflag:s29], $0x2800  }
.Ltmp1:
0x6a: {  	[sflag:s29] =	ssyncset.done $0x0;
	(pc) =	sbr.rel @p0 .LBB2_4-.Ltmp1, $4  }
0x6b: {  	[sflag:s29] =	ssyncadd.s32 $0xFFFFD800  }
0x6c: {  	[spmem:s3] =	stream.indirect.scatter.add.f32 [tilespmem:s26], [sflag:$0x3], $0x80, s22, s23, $0xb8;
	[tilespmem:$0x1F900] =	vst v63  }
0x6d: {  	_ =	swait.ge [sflag:s21], $0x2800  }
0x6e: {  	s2 =	smov.u32 s13;
	s31 =	sadd.s32 $0x500, s31;
	[sflag:s21] =	ssyncset.done $0x0  }
0x6f: {  	s2 =	sadd.s32 s1, s19;
	[sflag:s21] =	ssyncadd.s32 $0xFFFFD800  }
0x70: {  	[tilespmem:s4], [sflag:$0x3] =	stream.linear.gather [hbm4b:s2+s4], $0x50, $0x38;
	[tilespmem:$0x1F900] =	vst v63  }
0x71: {  	_ =	swait.ge [sflag:s21], $0x50  }
0x72: {  	[sflag:s21] =	ssyncset.done $0x0  }
0x73: {  	s11 =	sadd.s32 s1, s17;
	[sflag:s21] =	ssyncadd.s32 $0xFFFFFFB0  }
0x74: {  	[tilespmem:s22], [sflag:$0x3] =	stream.linear.gather [hbm4b:s11+s4], $0x50, $0x38;
	[tilespmem:$0x1F900] =	vst v63  }
0x75: {  	_ =	swait.ge [sflag:s21], $0x50  }
0x76: {  	[sflag:s21] =	ssyncset.done $0x0  }
0x77: {  	[sflag:s21] =	ssyncadd.s32 $0xFFFFFFB0  }
0x78: {  	[tilespmem:s24], [sflag:$0x1] =	stream.indirect.gather [hbm4b:s0+s23], $0x80, s4, s23, $0xb8;
	[tilespmem:$0x1F900] =	vst v63  }
0x79: {  	_ = 	snop  }
0x7a: {  	[tilespmem:s25], [sflag:$0x2] =	stream.indirect.gather [hbm4b:s5+s23], $0x80, s22, s23, $0xb8;
	[tilespmem:$0x1F900] =	vst v63  }
0x7b: {  	_ = 	snop  }
0x7c: {  	[tilespmem:s26], [sflag:$0x3] =	stream.linear.gather [hbm4b:s31+s4], $0x2800, $0x38;
	[tilespmem:$0x1F900] =	vst v63  }
0x7d: {  	_ =	swait.ge [sflag:s21], $0x2800  }
0x7e: {  	[sflag:s21] =	ssyncset.done $0x0  }
0x7f: {  	[sflag:s21] =	ssyncadd.s32 $0xFFFFD800  }
0x80: {  	_ =	swait.ge [sflag:s28], $0x2800  }
0x81: {  	[sflag:s28] =	ssyncset.done $0x0  }
0x82: {  	[sflag:s28] =	ssyncadd.s32 $0xFFFFD800  }
0x83: {  	_ =	swait.ge [sflag:s29], $0x2800  }
0x84: {  	[sflag:s29] =	ssyncset.done $0x0  }
0x85: {  	[sflag:s29] =	ssyncadd.s32 $0xFFFFD800  }
0x86: {  	[spmem:s3] =	stream.indirect.scatter.add.f32 [tilespmem:s26], [sflag:$0x3], $0x80, s22, s23, $0xb8;
	[tilespmem:$0x1F900] =	vst v63  }
0x87: {  	_ =	swait.ge [sflag:s21], $0x2800  }
0x88: {  	[sflag:s21] =	ssyncset.done $0x0  }
0x89: {  	[sflag:s21] =	ssyncadd.s32 $0xFFFFD800  }
0x8a: {  	[bflag:$0x0] =	sbarrier.arrive $0xFFFF  }
0x8b: {  	[tilespmem:s20], [sflag:$0x3] =	stream.linear.gather [spmem:s6], $0x4000, $0x38;
	[tilespmem:$0x1F900] =	vst v63  }
0x8c: {  	_ =	swait.ge [sflag:s21], $0x4000  }
0x8d: {  	[sflag:s21] =	ssyncset.done $0x0  }
0x8e: {  	s12 =	rddreg [dreg:$0x4];
	[sflag:s21] =	ssyncadd.s32 $0xFFFFC000  }
0x8f: {  	[hbm4b:s12+s4] =	stream.linear.scatter [tilespmem:s20], [sflag:$0x3], $0x4000, $0x38;
	[tilespmem:$0x1F900] =	vst v63  }
0x90: {  	_ =	swait.ge [sflag:s21], $0x4000  }
0x91: {  	[sflag:s21] =	ssyncset.done $0x0  }
0x92: {  	[sflag:s21] =	ssyncadd.s32 $0xFFFFC000  }
0x93: {  	[tilespmem:s20], [sflag:$0x3] =	stream.linear.gather [spmem:s7], $0x4000, $0x38;
	[tilespmem:$0x1F900] =	vst v63  }
0x94: {  	_ =	swait.ge [sflag:s21], $0x4000  }
0x95: {  	[sflag:s21] =	ssyncset.done $0x0  }
0x96: {  	s13 =	rddreg [dreg:$0x5];
	[sflag:s21] =	ssyncadd.s32 $0xFFFFC000  }
0x97: {  	[hbm4b:s13+s4] =	stream.linear.scatter [tilespmem:s20], [sflag:$0x3], $0x4000, $0x38;
	[tilespmem:$0x1F900] =	vst v63  }
0x98: {  	_ =	swait.ge [sflag:s21], $0x4000  }
0x99: {  	[sflag:s21] =	ssyncset.done $0x0  }
0x9a: {  	[sflag:s21] =	ssyncadd.s32 $0xFFFFC000  }
0x9b: {  	[tilespmem:s20], [sflag:$0x3] =	stream.linear.gather [spmem:s8], $0x4000, $0x38;
	[tilespmem:$0x1F900] =	vst v63  }
0x9c: {  	_ =	swait.ge [sflag:s21], $0x4000  }
0x9d: {  	[sflag:s21] =	ssyncset.done $0x0  }
0x9e: {  	s31 =	rddreg [dreg:$0x6];
	[sflag:s21] =	ssyncadd.s32 $0xFFFFC000  }
0x9f: {  	[hbm4b:s31+s4] =	stream.linear.scatter [tilespmem:s20], [sflag:$0x3], $0x4000, $0x38;
	[tilespmem:$0x1F900] =	vst v63  }
0xa0: {  	_ =	swait.ge [sflag:s21], $0x4000  }
0xa1: {  	[sflag:s21] =	ssyncset.done $0x0  }
0xa2: {  	[sflag:s21] =	ssyncadd.s32 $0xFFFFC000  }
0xa3: {  	[tilespmem:s20], [sflag:$0x3] =	stream.linear.gather [spmem:s9], $0x4000, $0x38;
	[tilespmem:$0x1F900] =	vst v63  }
0xa4: {  	_ =	swait.ge [sflag:s21], $0x4000  }
0xa5: {  	[sflag:s21] =	ssyncset.done $0x0  }
0xa6: {  	[sflag:s21] =	ssyncadd.s32 $0xFFFFC000  }
0xa7: {  	[hbm4b:s14+s4] =	stream.linear.scatter [tilespmem:s20], [sflag:$0x3], $0x4000, $0x38;
	[tilespmem:$0x1F900] =	vst v63  }
0xa8: {  	_ =	swait.ge [sflag:s21], $0x4000  }
0xa9: {  	[sflag:s21] =	ssyncset.done $0x0  }
0xaa: {  	[sflag:s21] =	ssyncadd.s32 $0xFFFFC000  }
0xab: {  	[tilespmem:s20], [sflag:$0x3] =	stream.linear.gather [spmem:s10], $0x4000, $0x38;
	[tilespmem:$0x1F900] =	vst v63  }
0xac: {  	s30 =	sadd.s32 $0x1, s30;
	_ =	swait.ge [sflag:s21], $0x4000  }
0xad: {  	p0 =	sne.s32 s30, s18;
	[sflag:s21] =	ssyncset.done $0x0  }
.Ltmp2:
0xae: {  	[sflag:s21] =	ssyncadd.s32 $0xFFFFC000;
	(pc) =	sbr.rel @p0 .LBB2_1-.Ltmp2, $4  }
0xaf: {  	[hbm4b:s15+s4] =	stream.linear.scatter [tilespmem:s20], [sflag:$0x3], $0x4000, $0x38;
	[tilespmem:$0x1F900] =	vst v63  }
0xb0: {  	_ =	swait.ge [sflag:s21], $0x4000  }
0xb1: {  	[sflag:s21] =	ssyncset.done $0x0  }
0xb2: {  	[sflag:s21] =	ssyncadd.s32 $0xFFFFC000  }
0xb3: {  	_ =	sfence.sel $0x180000  }
0xb4: {  	[bflag:$0x0] =	sbarrier.arrive $0xFFFF  }
0xb5: {  	_ =	strace $0x90000047  }
0xb6: {  	s0 =	stileid.u32;
	[bflag:$0x2] =	sbarrier.arrive $0xFFFF  }
0xb7: {  	p0 =	sne.s32 s0, $0x0;
	s0 =	rddreg [dreg:$0x3]  }
0xb8: {  	s0 =	sadd.s32 @!p0 $0x100000, s0  }
0xb9: {  	[sflag:s0] =	ssyncadd.tile.s32 @!p0 $0x1;
	_ =	shalt  }
.Lfunc_end2:
_tile_overlayer_lowered:
.L_overlay_start_2:
0xba: {  	(tag) =	ssettag $0x2  }
0xbb: {  	s0 =	rddreg [dreg:$0x0];
	s2 =	stileid.u32  }
0xbc: {  	s1 =	rddreg [dreg:$0x1];
	p0 =	sne.s32 s2, $0x0  }
0xbd: {  	s3 =	rddreg [dreg:$0x2];
	[bflag:$0x3] =	sbarrier.arrive $0xFFFF;
	s2 =	simm.s32 @!p0 $0x1C03  }
0xbe: {  	[timem:s3], [sflag:s2] =	dma.local @!p0 [hbm:s0], s1  }
0xbf: {  	s0 =	simm.s32 @!p0 $0x3  }
0xc0: {  	_ =	swait.ge @!p0 [sflag:s0], s1  }
0xc1: {  	s1 =	ssub.s32 @!p0 $0x0, s1;
	[sflag:s0] =	ssyncset.done @!p0 $0x0  }
0xc2: {  	[sflag:s0] =	ssyncadd.s32 @!p0 s1  }
0xc3: {  	[bflag:$0x3] =	sbarrier.arrive $0xFFFF  }
0xc4: {  	_ =	shalt  }

</sc_bundles>
